<compile_context>
chip_gen: v7x
topology: tpu7x:2x2x1
jax: 0.10.2.dev20260603
libtpu: 0.0.44.dev20260713+nightly
codegen_flags: <defaults>
</compile_context>

<pallas_src>
import functools

import jax
import jax.numpy as jnp
from jax import lax
from jax.experimental import pallas as pl
from jax.experimental.pallas import tpu as pltpu
from jax.experimental.pallas import tpu_sc as plsc

CH = 128


def _make_quant(v, d, rb):
    def _quant_block(wt_ref, o_ref):
        x = wt_ref[...]
        scale = jnp.maximum(
            jnp.max(jnp.abs(x), axis=0, keepdims=True) / 127.0, 1e-8)
        q = jnp.clip(jnp.round(x / scale), -127.0, 127.0) * scale
        o_ref[...] = q.T

    return pl.pallas_call(
        _quant_block,
        out_shape=jax.ShapeDtypeStruct((v, d), jnp.float32),
        grid=((v + rb - 1) // rb,),
        in_specs=[pl.BlockSpec((d, rb), lambda i: (0, i))],
        out_specs=pl.BlockSpec((rb, d), lambda i: (i, 0)),
    )


@functools.cache
def _make_gather(nw, nc, nf, cb, ch, d, k):
    chunks = nf * cb // nw
    assert chunks % (2 * k) == 0
    n_iter = chunks // (2 * k)
    mesh = plsc.VectorSubcoreMesh(core_axis_name="c", subcore_axis_name="s")

    b_per_w = chunks * ch

    @functools.partial(
        pl.kernel,
        out_type=jax.ShapeDtypeStruct((nf * cb * ch, 2 * d), jnp.float32),
        mesh=mesh,
        compiler_params=pltpu.CompilerParams(use_tc_tiling_on_sc=False,
                                             needs_layout_passes=False),
        scratch_types=[
            pltpu.VMEM((chunks, ch), jnp.int32),
            pltpu.VMEM((k, ch, d), jnp.float32),
            pltpu.VMEM((k, ch, d), jnp.float32),
            pltpu.SemaphoreType.DMA,
            pltpu.SemaphoreType.DMA,
            pltpu.SemaphoreType.DMA,
            pltpu.SemaphoreType.DMA,
        ],
    )
    def gather_k(idx_hbm, table_hbm, out_hbm, idx_v, rows_a, rows_b,
                 sem_ga, sem_gb, sem_sa, sem_sb):
        wid = lax.axis_index("s") * nc + lax.axis_index("c")
        base = wid * b_per_w
        pltpu.sync_copy(idx_hbm.at[wid], idx_v)

        def gather_start(j, buf, sem):
            return pltpu.async_copy(table_hbm.at[idx_v.at[j]], buf, sem)

        def drain(buf, sem):
            pltpu.make_async_copy(table_hbm.at[idx_v.at[0]], buf, sem).wait()

        def scatter_start(j, buf, sem):
            return pltpu.async_copy(
                buf, out_hbm.at[pl.ds(base + j * ch, ch), pl.ds(0, d)], sem)

        for b in range(k):
            gather_start(b, rows_a.at[b], sem_ga)

        def body(t, carry):
            c0 = (2 * t) * k
            c1 = c0 + k
            for b in range(k):
                gather_start(c1 + b, rows_b.at[b], sem_gb)
            for b in range(k):
                drain(rows_a.at[b], sem_ga)
            for b in range(k):
                scatter_start(c0 + b, rows_a.at[b], sem_sa)
            for b in range(k):
                drain(rows_a.at[b], sem_sa)

            @pl.when(t + 1 < n_iter)
            def _():
                for b in range(k):
                    gather_start(c0 + 2 * k + b, rows_a.at[b], sem_ga)

            for b in range(k):
                drain(rows_b.at[b], sem_gb)
            for b in range(k):
                scatter_start(c1 + b, rows_b.at[b], sem_sb)
            for b in range(k):
                drain(rows_b.at[b], sem_sb)
            return carry

        lax.fori_loop(0, n_iter, body, 0)

    return gather_k


def kernel(input, weight):
    v, d = weight.shape
    bt, nf = input.shape
    assert d % 8 == 0 and v * d % 128 == 0 and bt % CH == 0

    table = _make_quant(v, d, 2048)(weight.T)

    idx = input.T.reshape(-1).astype(jnp.int32)
    info = plsc.get_sparse_core_info()
    nc, ns = info.num_cores, info.num_subcores
    nw = nc * ns
    cb = bt // CH
    k = 4
    assert (nf * cb) % (nw * 2 * k) == 0
    idx3 = idx.reshape(nw, nf * cb // nw, CH)

    out = _make_gather(nw, nc, nf, cb, CH, d, k)(idx3, table)
    return out.reshape(nf, bt, 2 * d)[:, :, :d].transpose(1, 0, 2)

# --- scband reference (transcript-rebuilt; emitter-appended) ---
"""Pipeline reference for scband-quantized-embedding-5446018531483 (READ-ONLY COPY).

The authoritative reference and input builder live on the scoring server;
editing this copy changes nothing except your own understanding.
"""

import jax, jax.numpy as jnp
import numpy as np

VOCAB = 100000
EMBED_DIM = 64
BATCH = 16384
N_FIELDS = 26
PADDING_IDX = 0


def fake_quant_last_dim(w):
    # Symmetric int8 fake-quant along the last dim with straight-through estimator,
    # emulating quanter.apply(self.weight, -1).
    scale = jnp.max(jnp.abs(w), axis=-1, keepdims=True) / 127.0
    scale = jnp.maximum(scale, 1e-8)
    q = jnp.clip(jnp.round(w / scale), -127.0, 127.0) * scale
    # STE: forward uses q, gradient flows as identity
    return w + jax.lax.stop_gradient(q - w)


def setup_inputs(seed: int = 0) -> dict:
    key = jax.random.key(seed)
    k1, k2 = jax.random.split(key)
    weight = jax.random.normal(k1, (VOCAB, EMBED_DIM), dtype=jnp.float32)
    indices = jax.random.randint(k2, (BATCH, N_FIELDS), 0, VOCAB, dtype=jnp.int64 if jax.config.read('jax_enable_x64') else jnp.int32)
    return {"input": indices, "weight": weight}


def reference(input, weight):
    # quant_weight = self.quanter.apply(self.weight, -1)
    quant_weight = fake_quant_last_dim(weight)
    # nn.functional.embedding(input, quant_weight, padding_idx=...) -> plain gather at fwd time
    out = jnp.take(quant_weight, input, axis=0)
    return out

if __name__ == "__main__":
    import jax
    _d = setup_inputs()
    print(jax.jit(kernel)(*tuple(_d.values())))

</pallas_src>

<mosaic_0001>
#map = affine_map<(d0, d1) -> (0, 0, 0)>
#map1 = affine_map<(d0, d1) -> (0, 0)>
module attributes {stable_mosaic.version = 14 : i64} {
  func.func @gather_k(%arg0: i32, %arg1: i32, %arg2: memref<32x104x128xi32, #tpu.memory_space<hbm>>, %arg3: memref<100000x64xf32, #tpu.memory_space<hbm>>, %arg4: memref<425984x128xf32, #tpu.memory_space<hbm>>, %arg5: memref<104x128xi32, #tpu.memory_space<vmem>>, %arg6: memref<4x128x64xf32, #tpu.memory_space<vmem>>, %arg7: memref<4x128x64xf32, #tpu.memory_space<vmem>>, %arg8: memref<!tpu.dma_semaphore, #tpu.memory_space<semaphore_mem>>, %arg9: memref<!tpu.dma_semaphore, #tpu.memory_space<semaphore_mem>>, %arg10: memref<!tpu.dma_semaphore, #tpu.memory_space<semaphore_mem>>, %arg11: memref<!tpu.dma_semaphore, #tpu.memory_space<semaphore_mem>>) attributes {dimension_semantics = [#tpu.dimension_semantics<core_parallel>, #tpu.dimension_semantics<subcore_parallel>], iteration_bounds = array<i64: 2, 16>, scalar_prefetch = 0 : i64, scratch_operands = 7 : i64, tpu.core_type = #tpu.core_type<sc_vector_subcore>, window_params = [{transform_indices = #map}, {transform_indices = #map1}, {transform_indices = #map1}]} {
    %mul3A = arith.constant 2 : i32
    %mul3A_0 = arith.muli %arg1, %mul3A : i32
    %add3A = arith.addi %mul3A_0, %arg0 : i32
    %mul3A_1 = arith.constant 13312 : i32
    %mul3A_2 = arith.muli %add3A, %mul3A_1 : i32
    "tpu.region"() ({
      %run_scoped3A = tpu.sem_alloc : memref<!tpu.dma_semaphore, #tpu.memory_space<semaphore_mem>>
      %dma_start3A_55 = arith.constant 0 : i32
      %dma_start3A_56 = arith.constant 0 : i32
      %dma_start3A_57 = tpu.memref_slice %arg2[%add3A, %dma_start3A_55, %dma_start3A_56] : memref<32x104x128xi32, #tpu.memory_space<hbm>> -> memref<1x104x128xi32, #tpu.memory_space<hbm>>
      %dma_start3A_58 = tpu.memref_squeeze %dma_start3A_57 : memref<1x104x128xi32, #tpu.memory_space<hbm>> -> memref<104x128xi32, #tpu.memory_space<hbm>>
      %dma_start3A_59 = arith.constant 0 : i32
      %dma_start3A_60 = arith.constant 0 : i32
      %dma_start3A_61 = tpu.memref_slice %arg2[%add3A, %dma_start3A_59, %dma_start3A_60] : memref<32x104x128xi32, #tpu.memory_space<hbm>> -> memref<1x104x128xi32, #tpu.memory_space<hbm>>
      %dma_start3A_62 = tpu.memref_squeeze %dma_start3A_61 : memref<1x104x128xi32, #tpu.memory_space<hbm>> -> memref<104x128xi32, #tpu.memory_space<hbm>>
      tpu.enqueue_dma source(%dma_start3A_62 : memref<104x128xi32, #tpu.memory_space<hbm>>) target(%arg5 : memref<104x128xi32, #tpu.memory_space<vmem>>) target_semaphore(%run_scoped3A : memref<!tpu.dma_semaphore, #tpu.memory_space<semaphore_mem>>)
      %dma_wait3A = arith.constant 0 : i32
      %dma_wait3A_63 = arith.constant 0 : i32
      %dma_wait3A_64 = tpu.memref_slice %arg2[%add3A, %dma_wait3A, %dma_wait3A_63] : memref<32x104x128xi32, #tpu.memory_space<hbm>> -> memref<1x104x128xi32, #tpu.memory_space<hbm>>
      %dma_wait3A_65 = tpu.memref_squeeze %dma_wait3A_64 : memref<1x104x128xi32, #tpu.memory_space<hbm>> -> memref<104x128xi32, #tpu.memory_space<hbm>>
      %dma_wait3A_66 = arith.constant 0 : i32
      %dma_wait3A_67 = arith.constant 0 : i32
      %dma_wait3A_68 = tpu.memref_slice %arg2[%add3A, %dma_wait3A_66, %dma_wait3A_67] : memref<32x104x128xi32, #tpu.memory_space<hbm>> -> memref<1x104x128xi32, #tpu.memory_space<hbm>>
      %dma_wait3A_69 = tpu.memref_squeeze %dma_wait3A_68 : memref<1x104x128xi32, #tpu.memory_space<hbm>> -> memref<104x128xi32, #tpu.memory_space<hbm>>
      tpu.wait_dma2 semaphore(%run_scoped3A : memref<!tpu.dma_semaphore, #tpu.memory_space<semaphore_mem>>) src(%dma_wait3A_69 : memref<104x128xi32, #tpu.memory_space<hbm>>) dst(%arg5 : memref<104x128xi32, #tpu.memory_space<vmem>>)
      tpu.yield
    }) : () -> ()
    %dma_start3A = arith.constant 0 : i32
    %dma_start3A_3 = arith.constant 0 : i32
    %dma_start3A_4 = arith.constant 0 : i32
    %dma_start3A_5 = arith.constant 0 : i32
    %dma_start3A_6 = tpu.memref_slice %arg6[%dma_start3A_3, %dma_start3A_4, %dma_start3A_5] : memref<4x128x64xf32, #tpu.memory_space<vmem>> -> memref<1x128x64xf32, #tpu.memory_space<vmem>>
    %dma_start3A_7 = tpu.memref_squeeze %dma_start3A_6 : memref<1x128x64xf32, #tpu.memory_space<vmem>> -> memref<128x64xf32, #tpu.memory_space<vmem>>
    %dma_start3A_8 = arith.constant 0 : i32
    %dma_start3A_9 = tpu.memref_slice %arg5[%dma_start3A, %dma_start3A_8] : memref<104x128xi32, #tpu.memory_space<vmem>> -> memref<1x128xi32, #tpu.memory_space<vmem>>
    %dma_start3A_10 = tpu.memref_squeeze %dma_start3A_9 : memref<1x128xi32, #tpu.memory_space<vmem>> -> memref<128xi32, #tpu.memory_space<vmem>>
    %dma_start3A_11 = arith.constant 0 : i32
    %dma_start3A_12 = arith.constant 0 : i32
    %dma_start3A_13 = tpu.memref_slice %arg3[%dma_start3A_11, %dma_start3A_12] : memref<100000x64xf32, #tpu.memory_space<hbm>> -> memref<100000x64xf32, #tpu.memory_space<hbm>>
    tpu.enqueue_indirect_dma source(%dma_start3A_13 : memref<100000x64xf32, #tpu.memory_space<hbm>>) target(%dma_start3A_7 : memref<128x64xf32, #tpu.memory_space<vmem>>) offsets(%dma_start3A_10 : memref<128xi32, #tpu.memory_space<vmem>>) semaphore(%arg8 : memref<!tpu.dma_semaphore, #tpu.memory_space<semaphore_mem>>)
    %dma_start3A_14 = arith.constant 1 : i32
    %dma_start3A_15 = arith.constant 1 : i32
    %dma_start3A_16 = arith.constant 0 : i32
    %dma_start3A_17 = arith.constant 0 : i32
    %dma_start3A_18 = tpu.memref_slice %arg6[%dma_start3A_15, %dma_start3A_16, %dma_start3A_17] : memref<4x128x64xf32, #tpu.memory_space<vmem>> -> memref<1x128x64xf32, #tpu.memory_space<vmem>>
    %dma_start3A_19 = tpu.memref_squeeze %dma_start3A_18 : memref<1x128x64xf32, #tpu.memory_space<vmem>> -> memref<128x64xf32, #tpu.memory_space<vmem>>
    %dma_start3A_20 = arith.constant 0 : i32
    %dma_start3A_21 = tpu.memref_slice %arg5[%dma_start3A_14, %dma_start3A_20] : memref<104x128xi32, #tpu.memory_space<vmem>> -> memref<1x128xi32, #tpu.memory_space<vmem>>
    %dma_start3A_22 = tpu.memref_squeeze %dma_start3A_21 : memref<1x128xi32, #tpu.memory_space<vmem>> -> memref<128xi32, #tpu.memory_space<vmem>>
    %dma_start3A_23 = arith.constant 0 : i32
    %dma_start3A_24 = arith.constant 0 : i32
    %dma_start3A_25 = tpu.memref_slice %arg3[%dma_start3A_23, %dma_start3A_24] : memref<100000x64xf32, #tpu.memory_space<hbm>> -> memref<100000x64xf32, #tpu.memory_space<hbm>>
    tpu.enqueue_indirect_dma source(%dma_start3A_25 : memref<100000x64xf32, #tpu.memory_space<hbm>>) target(%dma_start3A_19 : memref<128x64xf32, #tpu.memory_space<vmem>>) offsets(%dma_start3A_22 : memref<128xi32, #tpu.memory_space<vmem>>) semaphore(%arg8 : memref<!tpu.dma_semaphore, #tpu.memory_space<semaphore_mem>>)
    %dma_start3A_26 = arith.constant 2 : i32
    %dma_start3A_27 = arith.constant 2 : i32
    %dma_start3A_28 = arith.constant 0 : i32
    %dma_start3A_29 = arith.constant 0 : i32
    %dma_start3A_30 = tpu.memref_slice %arg6[%dma_start3A_27, %dma_start3A_28, %dma_start3A_29] : memref<4x128x64xf32, #tpu.memory_space<vmem>> -> memref<1x128x64xf32, #tpu.memory_space<vmem>>
    %dma_start3A_31 = tpu.memref_squeeze %dma_start3A_30 : memref<1x128x64xf32, #tpu.memory_space<vmem>> -> memref<128x64xf32, #tpu.memory_space<vmem>>
    %dma_start3A_32 = arith.constant 0 : i32
    %dma_start3A_33 = tpu.memref_slice %arg5[%dma_start3A_26, %dma_start3A_32] : memref<104x128xi32, #tpu.memory_space<vmem>> -> memref<1x128xi32, #tpu.memory_space<vmem>>
    %dma_start3A_34 = tpu.memref_squeeze %dma_start3A_33 : memref<1x128xi32, #tpu.memory_space<vmem>> -> memref<128xi32, #tpu.memory_space<vmem>>
    %dma_start3A_35 = arith.constant 0 : i32
    %dma_start3A_36 = arith.constant 0 : i32
    %dma_start3A_37 = tpu.memref_slice %arg3[%dma_start3A_35, %dma_start3A_36] : memref<100000x64xf32, #tpu.memory_space<hbm>> -> memref<100000x64xf32, #tpu.memory_space<hbm>>
    tpu.enqueue_indirect_dma source(%dma_start3A_37 : memref<100000x64xf32, #tpu.memory_space<hbm>>) target(%dma_start3A_31 : memref<128x64xf32, #tpu.memory_space<vmem>>) offsets(%dma_start3A_34 : memref<128xi32, #tpu.memory_space<vmem>>) semaphore(%arg8 : memref<!tpu.dma_semaphore, #tpu.memory_space<semaphore_mem>>)
    %dma_start3A_38 = arith.constant 3 : i32
    %dma_start3A_39 = arith.constant 3 : i32
    %dma_start3A_40 = arith.constant 0 : i32
    %dma_start3A_41 = arith.constant 0 : i32
    %dma_start3A_42 = tpu.memref_slice %arg6[%dma_start3A_39, %dma_start3A_40, %dma_start3A_41] : memref<4x128x64xf32, #tpu.memory_space<vmem>> -> memref<1x128x64xf32, #tpu.memory_space<vmem>>
    %dma_start3A_43 = tpu.memref_squeeze %dma_start3A_42 : memref<1x128x64xf32, #tpu.memory_space<vmem>> -> memref<128x64xf32, #tpu.memory_space<vmem>>
    %dma_start3A_44 = arith.constant 0 : i32
    %dma_start3A_45 = tpu.memref_slice %arg5[%dma_start3A_38, %dma_start3A_44] : memref<104x128xi32, #tpu.memory_space<vmem>> -> memref<1x128xi32, #tpu.memory_space<vmem>>
    %dma_start3A_46 = tpu.memref_squeeze %dma_start3A_45 : memref<1x128xi32, #tpu.memory_space<vmem>> -> memref<128xi32, #tpu.memory_space<vmem>>
    %dma_start3A_47 = arith.constant 0 : i32
    %dma_start3A_48 = arith.constant 0 : i32
    %dma_start3A_49 = tpu.memref_slice %arg3[%dma_start3A_47, %dma_start3A_48] : memref<100000x64xf32, #tpu.memory_space<hbm>> -> memref<100000x64xf32, #tpu.memory_space<hbm>>
    tpu.enqueue_indirect_dma source(%dma_start3A_49 : memref<100000x64xf32, #tpu.memory_space<hbm>>) target(%dma_start3A_43 : memref<128x64xf32, #tpu.memory_space<vmem>>) offsets(%dma_start3A_46 : memref<128xi32, #tpu.memory_space<vmem>>) semaphore(%arg8 : memref<!tpu.dma_semaphore, #tpu.memory_space<semaphore_mem>>)
    %scan3A = arith.constant 0 : i32
    %scan3A_50 = arith.constant 0 : i32
    %scan3A_51 = arith.constant 13 : i32
    %scan3A_52 = arith.addi %scan3A_50, %scan3A_51 : i32
    %scan3A_53 = arith.constant 1 : i32
    scf.for %scan3A_55 = %scan3A_50 to %scan3A_52 step %scan3A_53  : i32 {
      %mul3A_56 = arith.constant 2 : i32
      %mul3A_57 = arith.muli %mul3A_56, %scan3A_55 : i32
      %mul3A_58 = arith.constant 4 : i32
      %mul3A_59 = arith.muli %mul3A_57, %mul3A_58 : i32
      %add3A_60 = arith.constant 4 : i32
      %add3A_61 = arith.addi %mul3A_59, %add3A_60 : i32
      %add3A_62 = arith.constant 0 : i32
      %add3A_63 = arith.addi %add3A_61, %add3A_62 : i32
      %dma_start3A_64 = arith.constant 0 : i32
      %dma_start3A_65 = arith.constant 0 : i32
      %dma_start3A_66 = arith.constant 0 : i32
      %dma_start3A_67 = tpu.memref_slice %arg7[%dma_start3A_64, %dma_start3A_65, %dma_start3A_66] : memref<4x128x64xf32, #tpu.memory_space<vmem>> -> memref<1x128x64xf32, #tpu.memory_space<vmem>>
      %dma_start3A_68 = tpu.memref_squeeze %dma_start3A_67 : memref<1x128x64xf32, #tpu.memory_space<vmem>> -> memref<128x64xf32, #tpu.memory_space<vmem>>
      %dma_start3A_69 = arith.constant 0 : i32
      %dma_start3A_70 = tpu.memref_slice %arg5[%add3A_63, %dma_start3A_69] : memref<104x128xi32, #tpu.memory_space<vmem>> -> memref<1x128xi32, #tpu.memory_space<vmem>>
      %dma_start3A_71 = tpu.memref_squeeze %dma_start3A_70 : memref<1x128xi32, #tpu.memory_space<vmem>> -> memref<128xi32, #tpu.memory_space<vmem>>
      %dma_start3A_72 = arith.constant 0 : i32
      %dma_start3A_73 = arith.constant 0 : i32
      %dma_start3A_74 = tpu.memref_slice %arg3[%dma_start3A_72, %dma_start3A_73] : memref<100000x64xf32, #tpu.memory_space<hbm>> -> memref<100000x64xf32, #tpu.memory_space<hbm>>
      tpu.enqueue_indirect_dma source(%dma_start3A_74 : memref<100000x64xf32, #tpu.memory_space<hbm>>) target(%dma_start3A_68 : memref<128x64xf32, #tpu.memory_space<vmem>>) offsets(%dma_start3A_71 : memref<128xi32, #tpu.memory_space<vmem>>) semaphore(%arg9 : memref<!tpu.dma_semaphore, #tpu.memory_space<semaphore_mem>>)
      %add3A_75 = arith.constant 1 : i32
      %add3A_76 = arith.addi %add3A_61, %add3A_75 : i32
      %dma_start3A_77 = arith.constant 1 : i32
      %dma_start3A_78 = arith.constant 0 : i32
      %dma_start3A_79 = arith.constant 0 : i32
      %dma_start3A_80 = tpu.memref_slice %arg7[%dma_start3A_77, %dma_start3A_78, %dma_start3A_79] : memref<4x128x64xf32, #tpu.memory_space<vmem>> -> memref<1x128x64xf32, #tpu.memory_space<vmem>>
      %dma_start3A_81 = tpu.memref_squeeze %dma_start3A_80 : memref<1x128x64xf32, #tpu.memory_space<vmem>> -> memref<128x64xf32, #tpu.memory_space<vmem>>
      %dma_start3A_82 = arith.constant 0 : i32
      %dma_start3A_83 = tpu.memref_slice %arg5[%add3A_76, %dma_start3A_82] : memref<104x128xi32, #tpu.memory_space<vmem>> -> memref<1x128xi32, #tpu.memory_space<vmem>>
      %dma_start3A_84 = tpu.memref_squeeze %dma_start3A_83 : memref<1x128xi32, #tpu.memory_space<vmem>> -> memref<128xi32, #tpu.memory_space<vmem>>
      %dma_start3A_85 = arith.constant 0 : i32
      %dma_start3A_86 = arith.constant 0 : i32
      %dma_start3A_87 = tpu.memref_slice %arg3[%dma_start3A_85, %dma_start3A_86] : memref<100000x64xf32, #tpu.memory_space<hbm>> -> memref<100000x64xf32, #tpu.memory_space<hbm>>
      tpu.enqueue_indirect_dma source(%dma_start3A_87 : memref<100000x64xf32, #tpu.memory_space<hbm>>) target(%dma_start3A_81 : memref<128x64xf32, #tpu.memory_space<vmem>>) offsets(%dma_start3A_84 : memref<128xi32, #tpu.memory_space<vmem>>) semaphore(%arg9 : memref<!tpu.dma_semaphore, #tpu.memory_space<semaphore_mem>>)
      %add3A_88 = arith.constant 2 : i32
      %add3A_89 = arith.addi %add3A_61, %add3A_88 : i32
      %dma_start3A_90 = arith.constant 2 : i32
      %dma_start3A_91 = arith.constant 0 : i32
      %dma_start3A_92 = arith.constant 0 : i32
      %dma_start3A_93 = tpu.memref_slice %arg7[%dma_start3A_90, %dma_start3A_91, %dma_start3A_92] : memref<4x128x64xf32, #tpu.memory_space<vmem>> -> memref<1x128x64xf32, #tpu.memory_space<vmem>>
      %dma_start3A_94 = tpu.memref_squeeze %dma_start3A_93 : memref<1x128x64xf32, #tpu.memory_space<vmem>> -> memref<128x64xf32, #tpu.memory_space<vmem>>
      %dma_start3A_95 = arith.constant 0 : i32
      %dma_start3A_96 = tpu.memref_slice %arg5[%add3A_89, %dma_start3A_95] : memref<104x128xi32, #tpu.memory_space<vmem>> -> memref<1x128xi32, #tpu.memory_space<vmem>>
      %dma_start3A_97 = tpu.memref_squeeze %dma_start3A_96 : memref<1x128xi32, #tpu.memory_space<vmem>> -> memref<128xi32, #tpu.memory_space<vmem>>
      %dma_start3A_98 = arith.constant 0 : i32
      %dma_start3A_99 = arith.constant 0 : i32
      %dma_start3A_100 = tpu.memref_slice %arg3[%dma_start3A_98, %dma_start3A_99] : memref<100000x64xf32, #tpu.memory_space<hbm>> -> memref<100000x64xf32, #tpu.memory_space<hbm>>
      tpu.enqueue_indirect_dma source(%dma_start3A_100 : memref<100000x64xf32, #tpu.memory_space<hbm>>) target(%dma_start3A_94 : memref<128x64xf32, #tpu.memory_space<vmem>>) offsets(%dma_start3A_97 : memref<128xi32, #tpu.memory_space<vmem>>) semaphore(%arg9 : memref<!tpu.dma_semaphore, #tpu.memory_space<semaphore_mem>>)
      %add3A_101 = arith.constant 3 : i32
      %add3A_102 = arith.addi %add3A_61, %add3A_101 : i32
      %dma_start3A_103 = arith.constant 3 : i32
      %dma_start3A_104 = arith.constant 0 : i32
      %dma_start3A_105 = arith.constant 0 : i32
      %dma_start3A_106 = tpu.memref_slice %arg7[%dma_start3A_103, %dma_start3A_104, %dma_start3A_105] : memref<4x128x64xf32, #tpu.memory_space<vmem>> -> memref<1x128x64xf32, #tpu.memory_space<vmem>>
      %dma_start3A_107 = tpu.memref_squeeze %dma_start3A_106 : memref<1x128x64xf32, #tpu.memory_space<vmem>> -> memref<128x64xf32, #tpu.memory_space<vmem>>
      %dma_start3A_108 = arith.constant 0 : i32
      %dma_start3A_109 = tpu.memref_slice %arg5[%add3A_102, %dma_start3A_108] : memref<104x128xi32, #tpu.memory_space<vmem>> -> memref<1x128xi32, #tpu.memory_space<vmem>>
      %dma_start3A_110 = tpu.memref_squeeze %dma_start3A_109 : memref<1x128xi32, #tpu.memory_space<vmem>> -> memref<128xi32, #tpu.memory_space<vmem>>
      %dma_start3A_111 = arith.constant 0 : i32
      %dma_start3A_112 = arith.constant 0 : i32
      %dma_start3A_113 = tpu.memref_slice %arg3[%dma_start3A_111, %dma_start3A_112] : memref<100000x64xf32, #tpu.memory_space<hbm>> -> memref<100000x64xf32, #tpu.memory_space<hbm>>
      tpu.enqueue_indirect_dma source(%dma_start3A_113 : memref<100000x64xf32, #tpu.memory_space<hbm>>) target(%dma_start3A_107 : memref<128x64xf32, #tpu.memory_space<vmem>>) offsets(%dma_start3A_110 : memref<128xi32, #tpu.memory_space<vmem>>) semaphore(%arg9 : memref<!tpu.dma_semaphore, #tpu.memory_space<semaphore_mem>>)
      %dma_wait3A = arith.constant 0 : i32
      %dma_wait3A_114 = arith.constant 0 : i32
      %dma_wait3A_115 = arith.constant 0 : i32
      %dma_wait3A_116 = arith.constant 0 : i32
      %dma_wait3A_117 = tpu.memref_slice %arg6[%dma_wait3A_114, %dma_wait3A_115, %dma_wait3A_116] : memref<4x128x64xf32, #tpu.memory_space<vmem>> -> memref<1x128x64xf32, #tpu.memory_space<vmem>>
      %dma_wait3A_118 = tpu.memref_squeeze %dma_wait3A_117 : memref<1x128x64xf32, #tpu.memory_space<vmem>> -> memref<128x64xf32, #tpu.memory_space<vmem>>
      %dma_wait3A_119 = arith.constant 0 : i32
      %dma_wait3A_120 = tpu.memref_slice %arg5[%dma_wait3A, %dma_wait3A_119] : memref<104x128xi32, #tpu.memory_space<vmem>> -> memref<1x128xi32, #tpu.memory_space<vmem>>
      %dma_wait3A_121 = tpu.memref_squeeze %dma_wait3A_120 : memref<1x128xi32, #tpu.memory_space<vmem>> -> memref<128xi32, #tpu.memory_space<vmem>>
      %dma_wait3A_122 = arith.constant 0 : i32
      %dma_wait3A_123 = arith.constant 0 : i32
      %dma_wait3A_124 = tpu.memref_slice %arg3[%dma_wait3A_122, %dma_wait3A_123] : memref<100000x64xf32, #tpu.memory_space<hbm>> -> memref<100000x64xf32, #tpu.memory_space<hbm>>
      tpu.wait_indirect_dma semaphore(%arg8 : memref<!tpu.dma_semaphore, #tpu.memory_space<semaphore_mem>>) src(%dma_wait3A_124 : memref<100000x64xf32, #tpu.memory_space<hbm>>) dst(%dma_wait3A_118 : memref<128x64xf32, #tpu.memory_space<vmem>>)
      %dma_wait3A_125 = arith.constant 0 : i32
      %dma_wait3A_126 = arith.constant 1 : i32
      %dma_wait3A_127 = arith.constant 0 : i32
      %dma_wait3A_128 = arith.constant 0 : i32
      %dma_wait3A_129 = tpu.memref_slice %arg6[%dma_wait3A_126, %dma_wait3A_127, %dma_wait3A_128] : memref<4x128x64xf32, #tpu.memory_space<vmem>> -> memref<1x128x64xf32, #tpu.memory_space<vmem>>
      %dma_wait3A_130 = tpu.memref_squeeze %dma_wait3A_129 : memref<1x128x64xf32, #tpu.memory_space<vmem>> -> memref<128x64xf32, #tpu.memory_space<vmem>>
      %dma_wait3A_131 = arith.constant 0 : i32
      %dma_wait3A_132 = tpu.memref_slice %arg5[%dma_wait3A_125, %dma_wait3A_131] : memref<104x128xi32, #tpu.memory_space<vmem>> -> memref<1x128xi32, #tpu.memory_space<vmem>>
      %dma_wait3A_133 = tpu.memref_squeeze %dma_wait3A_132 : memref<1x128xi32, #tpu.memory_space<vmem>> -> memref<128xi32, #tpu.memory_space<vmem>>
      %dma_wait3A_134 = arith.constant 0 : i32
      %dma_wait3A_135 = arith.constant 0 : i32
      %dma_wait3A_136 = tpu.memref_slice %arg3[%dma_wait3A_134, %dma_wait3A_135] : memref<100000x64xf32, #tpu.memory_space<hbm>> -> memref<100000x64xf32, #tpu.memory_space<hbm>>
      tpu.wait_indirect_dma semaphore(%arg8 : memref<!tpu.dma_semaphore, #tpu.memory_space<semaphore_mem>>) src(%dma_wait3A_136 : memref<100000x64xf32, #tpu.memory_space<hbm>>) dst(%dma_wait3A_130 : memref<128x64xf32, #tpu.memory_space<vmem>>)
      %dma_wait3A_137 = arith.constant 0 : i32
      %dma_wait3A_138 = arith.constant 2 : i32
      %dma_wait3A_139 = arith.constant 0 : i32
      %dma_wait3A_140 = arith.constant 0 : i32
      %dma_wait3A_141 = tpu.memref_slice %arg6[%dma_wait3A_138, %dma_wait3A_139, %dma_wait3A_140] : memref<4x128x64xf32, #tpu.memory_space<vmem>> -> memref<1x128x64xf32, #tpu.memory_space<vmem>>
      %dma_wait3A_142 = tpu.memref_squeeze %dma_wait3A_141 : memref<1x128x64xf32, #tpu.memory_space<vmem>> -> memref<128x64xf32, #tpu.memory_space<vmem>>
      %dma_wait3A_143 = arith.constant 0 : i32
      %dma_wait3A_144 = tpu.memref_slice %arg5[%dma_wait3A_137, %dma_wait3A_143] : memref<104x128xi32, #tpu.memory_space<vmem>> -> memref<1x128xi32, #tpu.memory_space<vmem>>
      %dma_wait3A_145 = tpu.memref_squeeze %dma_wait3A_144 : memref<1x128xi32, #tpu.memory_space<vmem>> -> memref<128xi32, #tpu.memory_space<vmem>>
      %dma_wait3A_146 = arith.constant 0 : i32
      %dma_wait3A_147 = arith.constant 0 : i32
      %dma_wait3A_148 = tpu.memref_slice %arg3[%dma_wait3A_146, %dma_wait3A_147] : memref<100000x64xf32, #tpu.memory_space<hbm>> -> memref<100000x64xf32, #tpu.memory_space<hbm>>
      tpu.wait_indirect_dma semaphore(%arg8 : memref<!tpu.dma_semaphore, #tpu.memory_space<semaphore_mem>>) src(%dma_wait3A_148 : memref<100000x64xf32, #tpu.memory_space<hbm>>) dst(%dma_wait3A_142 : memref<128x64xf32, #tpu.memory_space<vmem>>)
      %dma_wait3A_149 = arith.constant 0 : i32
      %dma_wait3A_150 = arith.constant 3 : i32
      %dma_wait3A_151 = arith.constant 0 : i32
      %dma_wait3A_152 = arith.constant 0 : i32
      %dma_wait3A_153 = tpu.memref_slice %arg6[%dma_wait3A_150, %dma_wait3A_151, %dma_wait3A_152] : memref<4x128x64xf32, #tpu.memory_space<vmem>> -> memref<1x128x64xf32, #tpu.memory_space<vmem>>
      %dma_wait3A_154 = tpu.memref_squeeze %dma_wait3A_153 : memref<1x128x64xf32, #tpu.memory_space<vmem>> -> memref<128x64xf32, #tpu.memory_space<vmem>>
      %dma_wait3A_155 = arith.constant 0 : i32
      %dma_wait3A_156 = tpu.memref_slice %arg5[%dma_wait3A_149, %dma_wait3A_155] : memref<104x128xi32, #tpu.memory_space<vmem>> -> memref<1x128xi32, #tpu.memory_space<vmem>>
      %dma_wait3A_157 = tpu.memref_squeeze %dma_wait3A_156 : memref<1x128xi32, #tpu.memory_space<vmem>> -> memref<128xi32, #tpu.memory_space<vmem>>
      %dma_wait3A_158 = arith.constant 0 : i32
      %dma_wait3A_159 = arith.constant 0 : i32
      %dma_wait3A_160 = tpu.memref_slice %arg3[%dma_wait3A_158, %dma_wait3A_159] : memref<100000x64xf32, #tpu.memory_space<hbm>> -> memref<100000x64xf32, #tpu.memory_space<hbm>>
      tpu.wait_indirect_dma semaphore(%arg8 : memref<!tpu.dma_semaphore, #tpu.memory_space<semaphore_mem>>) src(%dma_wait3A_160 : memref<100000x64xf32, #tpu.memory_space<hbm>>) dst(%dma_wait3A_154 : memref<128x64xf32, #tpu.memory_space<vmem>>)
      %add3A_161 = arith.constant 0 : i32
      %add3A_162 = arith.addi %mul3A_59, %add3A_161 : i32
      %mul3A_163 = arith.constant 128 : i32
      %mul3A_164 = arith.muli %add3A_162, %mul3A_163 : i32
      %add3A_165 = arith.addi %mul3A_2, %mul3A_164 : i32
      %dma_start3A_166 = arith.constant 0 : i32
      %dma_start3A_167 = arith.constant 0 : i32
      %dma_start3A_168 = arith.constant 0 : i32
      %dma_start3A_169 = tpu.memref_slice %arg6[%dma_start3A_166, %dma_start3A_167, %dma_start3A_168] : memref<4x128x64xf32, #tpu.memory_space<vmem>> -> memref<1x128x64xf32, #tpu.memory_space<vmem>>
      %dma_start3A_170 = tpu.memref_squeeze %dma_start3A_169 : memref<1x128x64xf32, #tpu.memory_space<vmem>> -> memref<128x64xf32, #tpu.memory_space<vmem>>
      %dma_start3A_171 = arith.constant 0 : i32
      %dma_start3A_172 = tpu.memref_slice %arg4[%add3A_165, %dma_start3A_171] : memref<425984x128xf32, #tpu.memory_space<hbm>> -> memref<128x64xf32, #tpu.memory_space<hbm>>
      %dma_start3A_173 = arith.constant 0 : i32
      %dma_start3A_174 = tpu.memref_slice %arg4[%add3A_165, %dma_start3A_173] : memref<425984x128xf32, #tpu.memory_space<hbm>> -> memref<128x64xf32, #tpu.memory_space<hbm>>
      %dma_start3A_175 = arith.constant 0 : i32
      %dma_start3A_176 = arith.constant 0 : i32
      %dma_start3A_177 = tpu.memref_slice %arg6[%dma_start3A_166, %dma_start3A_175, %dma_start3A_176] : memref<4x128x64xf32, #tpu.memory_space<vmem>> -> memref<1x128x64xf32, #tpu.memory_space<vmem>>
      %dma_start3A_178 = tpu.memref_squeeze %dma_start3A_177 : memref<1x128x64xf32, #tpu.memory_space<vmem>> -> memref<128x64xf32, #tpu.memory_space<vmem>>
      tpu.enqueue_dma source(%dma_start3A_178 : memref<128x64xf32, #tpu.memory_space<vmem>>) target(%dma_start3A_174 : memref<128x64xf32, #tpu.memory_space<hbm>>) target_semaphore(%arg10 : memref<!tpu.dma_semaphore, #tpu.memory_space<semaphore_mem>>)
      %add3A_179 = arith.constant 1 : i32
      %add3A_180 = arith.addi %mul3A_59, %add3A_179 : i32
      %mul3A_181 = arith.constant 128 : i32
      %mul3A_182 = arith.muli %add3A_180, %mul3A_181 : i32
      %add3A_183 = arith.addi %mul3A_2, %mul3A_182 : i32
      %dma_start3A_184 = arith.constant 1 : i32
      %dma_start3A_185 = arith.constant 0 : i32
      %dma_start3A_186 = arith.constant 0 : i32
      %dma_start3A_187 = tpu.memref_slice %arg6[%dma_start3A_184, %dma_start3A_185, %dma_start3A_186] : memref<4x128x64xf32, #tpu.memory_space<vmem>> -> memref<1x128x64xf32, #tpu.memory_space<vmem>>
      %dma_start3A_188 = tpu.memref_squeeze %dma_start3A_187 : memref<1x128x64xf32, #tpu.memory_space<vmem>> -> memref<128x64xf32, #tpu.memory_space<vmem>>
      %dma_start3A_189 = arith.constant 0 : i32
      %dma_start3A_190 = tpu.memref_slice %arg4[%add3A_183, %dma_start3A_189] : memref<425984x128xf32, #tpu.memory_space<hbm>> -> memref<128x64xf32, #tpu.memory_space<hbm>>
      %dma_start3A_191 = arith.constant 0 : i32
      %dma_start3A_192 = tpu.memref_slice %arg4[%add3A_183, %dma_start3A_191] : memref<425984x128xf32, #tpu.memory_space<hbm>> -> memref<128x64xf32, #tpu.memory_space<hbm>>
      %dma_start3A_193 = arith.constant 0 : i32
      %dma_start3A_194 = arith.constant 0 : i32
      %dma_start3A_195 = tpu.memref_slice %arg6[%dma_start3A_184, %dma_start3A_193, %dma_start3A_194] : memref<4x128x64xf32, #tpu.memory_space<vmem>> -> memref<1x128x64xf32, #tpu.memory_space<vmem>>
      %dma_start3A_196 = tpu.memref_squeeze %dma_start3A_195 : memref<1x128x64xf32, #tpu.memory_space<vmem>> -> memref<128x64xf32, #tpu.memory_space<vmem>>
      tpu.enqueue_dma source(%dma_start3A_196 : memref<128x64xf32, #tpu.memory_space<vmem>>) target(%dma_start3A_192 : memref<128x64xf32, #tpu.memory_space<hbm>>) target_semaphore(%arg10 : memref<!tpu.dma_semaphore, #tpu.memory_space<semaphore_mem>>)
      %add3A_197 = arith.constant 2 : i32
      %add3A_198 = arith.addi %mul3A_59, %add3A_197 : i32
      %mul3A_199 = arith.constant 128 : i32
      %mul3A_200 = arith.muli %add3A_198, %mul3A_199 : i32
      %add3A_201 = arith.addi %mul3A_2, %mul3A_200 : i32
      %dma_start3A_202 = arith.constant 2 : i32
      %dma_start3A_203 = arith.constant 0 : i32
      %dma_start3A_204 = arith.constant 0 : i32
      %dma_start3A_205 = tpu.memref_slice %arg6[%dma_start3A_202, %dma_start3A_203, %dma_start3A_204] : memref<4x128x64xf32, #tpu.memory_space<vmem>> -> memref<1x128x64xf32, #tpu.memory_space<vmem>>
      %dma_start3A_206 = tpu.memref_squeeze %dma_start3A_205 : memref<1x128x64xf32, #tpu.memory_space<vmem>> -> memref<128x64xf32, #tpu.memory_space<vmem>>
      %dma_start3A_207 = arith.constant 0 : i32
      %dma_start3A_208 = tpu.memref_slice %arg4[%add3A_201, %dma_start3A_207] : memref<425984x128xf32, #tpu.memory_space<hbm>> -> memref<128x64xf32, #tpu.memory_space<hbm>>
      %dma_start3A_209 = arith.constant 0 : i32
      %dma_start3A_210 = tpu.memref_slice %arg4[%add3A_201, %dma_start3A_209] : memref<425984x128xf32, #tpu.memory_space<hbm>> -> memref<128x64xf32, #tpu.memory_space<hbm>>
      %dma_start3A_211 = arith.constant 0 : i32
      %dma_start3A_212 = arith.constant 0 : i32
      %dma_start3A_213 = tpu.memref_slice %arg6[%dma_start3A_202, %dma_start3A_211, %dma_start3A_212] : memref<4x128x64xf32, #tpu.memory_space<vmem>> -> memref<1x128x64xf32, #tpu.memory_space<vmem>>
      %dma_start3A_214 = tpu.memref_squeeze %dma_start3A_213 : memref<1x128x64xf32, #tpu.memory_space<vmem>> -> memref<128x64xf32, #tpu.memory_space<vmem>>
      tpu.enqueue_dma source(%dma_start3A_214 : memref<128x64xf32, #tpu.memory_space<vmem>>) target(%dma_start3A_210 : memref<128x64xf32, #tpu.memory_space<hbm>>) target_semaphore(%arg10 : memref<!tpu.dma_semaphore, #tpu.memory_space<semaphore_mem>>)
      %add3A_215 = arith.constant 3 : i32
      %add3A_216 = arith.addi %mul3A_59, %add3A_215 : i32
      %mul3A_217 = arith.constant 128 : i32
      %mul3A_218 = arith.muli %add3A_216, %mul3A_217 : i32
      %add3A_219 = arith.addi %mul3A_2, %mul3A_218 : i32
      %dma_start3A_220 = arith.constant 3 : i32
      %dma_start3A_221 = arith.constant 0 : i32
      %dma_start3A_222 = arith.constant 0 : i32
      %dma_start3A_223 = tpu.memref_slice %arg6[%dma_start3A_220, %dma_start3A_221, %dma_start3A_222] : memref<4x128x64xf32, #tpu.memory_space<vmem>> -> memref<1x128x64xf32, #tpu.memory_space<vmem>>
      %dma_start3A_224 = tpu.memref_squeeze %dma_start3A_223 : memref<1x128x64xf32, #tpu.memory_space<vmem>> -> memref<128x64xf32, #tpu.memory_space<vmem>>
      %dma_start3A_225 = arith.constant 0 : i32
      %dma_start3A_226 = tpu.memref_slice %arg4[%add3A_219, %dma_start3A_225] : memref<425984x128xf32, #tpu.memory_space<hbm>> -> memref<128x64xf32, #tpu.memory_space<hbm>>
      %dma_start3A_227 = arith.constant 0 : i32
      %dma_start3A_228 = tpu.memref_slice %arg4[%add3A_219, %dma_start3A_227] : memref<425984x128xf32, #tpu.memory_space<hbm>> -> memref<128x64xf32, #tpu.memory_space<hbm>>
      %dma_start3A_229 = arith.constant 0 : i32
      %dma_start3A_230 = arith.constant 0 : i32
      %dma_start3A_231 = tpu.memref_slice %arg6[%dma_start3A_220, %dma_start3A_229, %dma_start3A_230] : memref<4x128x64xf32, #tpu.memory_space<vmem>> -> memref<1x128x64xf32, #tpu.memory_space<vmem>>
      %dma_start3A_232 = tpu.memref_squeeze %dma_start3A_231 : memref<1x128x64xf32, #tpu.memory_space<vmem>> -> memref<128x64xf32, #tpu.memory_space<vmem>>
      tpu.enqueue_dma source(%dma_start3A_232 : memref<128x64xf32, #tpu.memory_space<vmem>>) target(%dma_start3A_228 : memref<128x64xf32, #tpu.memory_space<hbm>>) target_semaphore(%arg10 : memref<!tpu.dma_semaphore, #tpu.memory_space<semaphore_mem>>)
      %dma_wait3A_233 = arith.constant 0 : i32
      %dma_wait3A_234 = arith.constant 0 : i32
      %dma_wait3A_235 = arith.constant 0 : i32
      %dma_wait3A_236 = arith.constant 0 : i32
      %dma_wait3A_237 = tpu.memref_slice %arg6[%dma_wait3A_234, %dma_wait3A_235, %dma_wait3A_236] : memref<4x128x64xf32, #tpu.memory_space<vmem>> -> memref<1x128x64xf32, #tpu.memory_space<vmem>>
      %dma_wait3A_238 = tpu.memref_squeeze %dma_wait3A_237 : memref<1x128x64xf32, #tpu.memory_space<vmem>> -> memref<128x64xf32, #tpu.memory_space<vmem>>
      %dma_wait3A_239 = arith.constant 0 : i32
      %dma_wait3A_240 = tpu.memref_slice %arg5[%dma_wait3A_233, %dma_wait3A_239] : memref<104x128xi32, #tpu.memory_space<vmem>> -> memref<1x128xi32, #tpu.memory_space<vmem>>
      %dma_wait3A_241 = tpu.memref_squeeze %dma_wait3A_240 : memref<1x128xi32, #tpu.memory_space<vmem>> -> memref<128xi32, #tpu.memory_space<vmem>>
      %dma_wait3A_242 = arith.constant 0 : i32
      %dma_wait3A_243 = arith.constant 0 : i32
      %dma_wait3A_244 = tpu.memref_slice %arg3[%dma_wait3A_242, %dma_wait3A_243] : memref<100000x64xf32, #tpu.memory_space<hbm>> -> memref<100000x64xf32, #tpu.memory_space<hbm>>
      tpu.wait_indirect_dma semaphore(%arg10 : memref<!tpu.dma_semaphore, #tpu.memory_space<semaphore_mem>>) src(%dma_wait3A_244 : memref<100000x64xf32, #tpu.memory_space<hbm>>) dst(%dma_wait3A_238 : memref<128x64xf32, #tpu.memory_space<vmem>>)
      %dma_wait3A_245 = arith.constant 0 : i32
      %dma_wait3A_246 = arith.constant 1 : i32
      %dma_wait3A_247 = arith.constant 0 : i32
      %dma_wait3A_248 = arith.constant 0 : i32
      %dma_wait3A_249 = tpu.memref_slice %arg6[%dma_wait3A_246, %dma_wait3A_247, %dma_wait3A_248] : memref<4x128x64xf32, #tpu.memory_space<vmem>> -> memref<1x128x64xf32, #tpu.memory_space<vmem>>
      %dma_wait3A_250 = tpu.memref_squeeze %dma_wait3A_249 : memref<1x128x64xf32, #tpu.memory_space<vmem>> -> memref<128x64xf32, #tpu.memory_space<vmem>>
      %dma_wait3A_251 = arith.constant 0 : i32
      %dma_wait3A_252 = tpu.memref_slice %arg5[%dma_wait3A_245, %dma_wait3A_251] : memref<104x128xi32, #tpu.memory_space<vmem>> -> memref<1x128xi32, #tpu.memory_space<vmem>>
      %dma_wait3A_253 = tpu.memref_squeeze %dma_wait3A_252 : memref<1x128xi32, #tpu.memory_space<vmem>> -> memref<128xi32, #tpu.memory_space<vmem>>
      %dma_wait3A_254 = arith.constant 0 : i32
      %dma_wait3A_255 = arith.constant 0 : i32
      %dma_wait3A_256 = tpu.memref_slice %arg3[%dma_wait3A_254, %dma_wait3A_255] : memref<100000x64xf32, #tpu.memory_space<hbm>> -> memref<100000x64xf32, #tpu.memory_space<hbm>>
      tpu.wait_indirect_dma semaphore(%arg10 : memref<!tpu.dma_semaphore, #tpu.memory_space<semaphore_mem>>) src(%dma_wait3A_256 : memref<100000x64xf32, #tpu.memory_space<hbm>>) dst(%dma_wait3A_250 : memref<128x64xf32, #tpu.memory_space<vmem>>)
      %dma_wait3A_257 = arith.constant 0 : i32
      %dma_wait3A_258 = arith.constant 2 : i32
      %dma_wait3A_259 = arith.constant 0 : i32
      %dma_wait3A_260 = arith.constant 0 : i32
      %dma_wait3A_261 = tpu.memref_slice %arg6[%dma_wait3A_258, %dma_wait3A_259, %dma_wait3A_260] : memref<4x128x64xf32, #tpu.memory_space<vmem>> -> memref<1x128x64xf32, #tpu.memory_space<vmem>>
      %dma_wait3A_262 = tpu.memref_squeeze %dma_wait3A_261 : memref<1x128x64xf32, #tpu.memory_space<vmem>> -> memref<128x64xf32, #tpu.memory_space<vmem>>
      %dma_wait3A_263 = arith.constant 0 : i32
      %dma_wait3A_264 = tpu.memref_slice %arg5[%dma_wait3A_257, %dma_wait3A_263] : memref<104x128xi32, #tpu.memory_space<vmem>> -> memref<1x128xi32, #tpu.memory_space<vmem>>
      %dma_wait3A_265 = tpu.memref_squeeze %dma_wait3A_264 : memref<1x128xi32, #tpu.memory_space<vmem>> -> memref<128xi32, #tpu.memory_space<vmem>>
      %dma_wait3A_266 = arith.constant 0 : i32
      %dma_wait3A_267 = arith.constant 0 : i32
      %dma_wait3A_268 = tpu.memref_slice %arg3[%dma_wait3A_266, %dma_wait3A_267] : memref<100000x64xf32, #tpu.memory_space<hbm>> -> memref<100000x64xf32, #tpu.memory_space<hbm>>
      tpu.wait_indirect_dma semaphore(%arg10 : memref<!tpu.dma_semaphore, #tpu.memory_space<semaphore_mem>>) src(%dma_wait3A_268 : memref<100000x64xf32, #tpu.memory_space<hbm>>) dst(%dma_wait3A_262 : memref<128x64xf32, #tpu.memory_space<vmem>>)
      %dma_wait3A_269 = arith.constant 0 : i32
      %dma_wait3A_270 = arith.constant 3 : i32
      %dma_wait3A_271 = arith.constant 0 : i32
      %dma_wait3A_272 = arith.constant 0 : i32
      %dma_wait3A_273 = tpu.memref_slice %arg6[%dma_wait3A_270, %dma_wait3A_271, %dma_wait3A_272] : memref<4x128x64xf32, #tpu.memory_space<vmem>> -> memref<1x128x64xf32, #tpu.memory_space<vmem>>
      %dma_wait3A_274 = tpu.memref_squeeze %dma_wait3A_273 : memref<1x128x64xf32, #tpu.memory_space<vmem>> -> memref<128x64xf32, #tpu.memory_space<vmem>>
      %dma_wait3A_275 = arith.constant 0 : i32
      %dma_wait3A_276 = tpu.memref_slice %arg5[%dma_wait3A_269, %dma_wait3A_275] : memref<104x128xi32, #tpu.memory_space<vmem>> -> memref<1x128xi32, #tpu.memory_space<vmem>>
      %dma_wait3A_277 = tpu.memref_squeeze %dma_wait3A_276 : memref<1x128xi32, #tpu.memory_space<vmem>> -> memref<128xi32, #tpu.memory_space<vmem>>
      %dma_wait3A_278 = arith.constant 0 : i32
      %dma_wait3A_279 = arith.constant 0 : i32
      %dma_wait3A_280 = tpu.memref_slice %arg3[%dma_wait3A_278, %dma_wait3A_279] : memref<100000x64xf32, #tpu.memory_space<hbm>> -> memref<100000x64xf32, #tpu.memory_space<hbm>>
      tpu.wait_indirect_dma semaphore(%arg10 : memref<!tpu.dma_semaphore, #tpu.memory_space<semaphore_mem>>) src(%dma_wait3A_280 : memref<100000x64xf32, #tpu.memory_space<hbm>>) dst(%dma_wait3A_274 : memref<128x64xf32, #tpu.memory_space<vmem>>)
      %add3A_281 = arith.constant 1 : i32
      %add3A_282 = arith.addi %scan3A_55, %add3A_281 : i32
      %lt3A = arith.constant 13 : i32
      %lt3A_283 = arith.cmpi slt, %add3A_282, %lt3A : i32
      %convert_element_type3A = arith.extui %lt3A_283 : i1 to i32
      %cond3A = arith.constant 0 : i32
      %cond3A_284 = arith.cmpi ne, %convert_element_type3A, %cond3A : i32
      scf.if %cond3A_284 {
        %add3A_453 = arith.constant 8 : i32
        %add3A_454 = arith.addi %mul3A_59, %add3A_453 : i32
        %add3A_455 = arith.constant 0 : i32
        %add3A_456 = arith.addi %add3A_454, %add3A_455 : i32
        %dma_start3A_457 = arith.constant 0 : i32
        %dma_start3A_458 = arith.constant 0 : i32
        %dma_start3A_459 = arith.constant 0 : i32
        %dma_start3A_460 = tpu.memref_slice %arg6[%dma_start3A_457, %dma_start3A_458, %dma_start3A_459] : memref<4x128x64xf32, #tpu.memory_space<vmem>> -> memref<1x128x64xf32, #tpu.memory_space<vmem>>
        %dma_start3A_461 = tpu.memref_squeeze %dma_start3A_460 : memref<1x128x64xf32, #tpu.memory_space<vmem>> -> memref<128x64xf32, #tpu.memory_space<vmem>>
        %dma_start3A_462 = arith.constant 0 : i32
        %dma_start3A_463 = tpu.memref_slice %arg5[%add3A_456, %dma_start3A_462] : memref<104x128xi32, #tpu.memory_space<vmem>> -> memref<1x128xi32, #tpu.memory_space<vmem>>
        %dma_start3A_464 = tpu.memref_squeeze %dma_start3A_463 : memref<1x128xi32, #tpu.memory_space<vmem>> -> memref<128xi32, #tpu.memory_space<vmem>>
        %dma_start3A_465 = arith.constant 0 : i32
        %dma_start3A_466 = arith.constant 0 : i32
        %dma_start3A_467 = tpu.memref_slice %arg3[%dma_start3A_465, %dma_start3A_466] : memref<100000x64xf32, #tpu.memory_space<hbm>> -> memref<100000x64xf32, #tpu.memory_space<hbm>>
        tpu.enqueue_indirect_dma source(%dma_start3A_467 : memref<100000x64xf32, #tpu.memory_space<hbm>>) target(%dma_start3A_461 : memref<128x64xf32, #tpu.memory_space<vmem>>) offsets(%dma_start3A_464 : memref<128xi32, #tpu.memory_space<vmem>>) semaphore(%arg8 : memref<!tpu.dma_semaphore, #tpu.memory_space<semaphore_mem>>)
        %add3A_468 = arith.constant 8 : i32
        %add3A_469 = arith.addi %mul3A_59, %add3A_468 : i32
        %add3A_470 = arith.constant 1 : i32
        %add3A_471 = arith.addi %add3A_469, %add3A_470 : i32
        %dma_start3A_472 = arith.constant 1 : i32
        %dma_start3A_473 = arith.constant 0 : i32
        %dma_start3A_474 = arith.constant 0 : i32
        %dma_start3A_475 = tpu.memref_slice %arg6[%dma_start3A_472, %dma_start3A_473, %dma_start3A_474] : memref<4x128x64xf32, #tpu.memory_space<vmem>> -> memref<1x128x64xf32, #tpu.memory_space<vmem>>
        %dma_start3A_476 = tpu.memref_squeeze %dma_start3A_475 : memref<1x128x64xf32, #tpu.memory_space<vmem>> -> memref<128x64xf32, #tpu.memory_space<vmem>>
        %dma_start3A_477 = arith.constant 0 : i32
        %dma_start3A_478 = tpu.memref_slice %arg5[%add3A_471, %dma_start3A_477] : memref<104x128xi32, #tpu.memory_space<vmem>> -> memref<1x128xi32, #tpu.memory_space<vmem>>
        %dma_start3A_479 = tpu.memref_squeeze %dma_start3A_478 : memref<1x128xi32, #tpu.memory_space<vmem>> -> memref<128xi32, #tpu.memory_space<vmem>>
        %dma_start3A_480 = arith.constant 0 : i32
        %dma_start3A_481 = arith.constant 0 : i32
        %dma_start3A_482 = tpu.memref_slice %arg3[%dma_start3A_480, %dma_start3A_481] : memref<100000x64xf32, #tpu.memory_space<hbm>> -> memref<100000x64xf32, #tpu.memory_space<hbm>>
        tpu.enqueue_indirect_dma source(%dma_start3A_482 : memref<100000x64xf32, #tpu.memory_space<hbm>>) target(%dma_start3A_476 : memref<128x64xf32, #tpu.memory_space<vmem>>) offsets(%dma_start3A_479 : memref<128xi32, #tpu.memory_space<vmem>>) semaphore(%arg8 : memref<!tpu.dma_semaphore, #tpu.memory_space<semaphore_mem>>)
        %add3A_483 = arith.constant 8 : i32
        %add3A_484 = arith.addi %mul3A_59, %add3A_483 : i32
        %add3A_485 = arith.constant 2 : i32
        %add3A_486 = arith.addi %add3A_484, %add3A_485 : i32
        %dma_start3A_487 = arith.constant 2 : i32
        %dma_start3A_488 = arith.constant 0 : i32
        %dma_start3A_489 = arith.constant 0 : i32
        %dma_start3A_490 = tpu.memref_slice %arg6[%dma_start3A_487, %dma_start3A_488, %dma_start3A_489] : memref<4x128x64xf32, #tpu.memory_space<vmem>> -> memref<1x128x64xf32, #tpu.memory_space<vmem>>
        %dma_start3A_491 = tpu.memref_squeeze %dma_start3A_490 : memref<1x128x64xf32, #tpu.memory_space<vmem>> -> memref<128x64xf32, #tpu.memory_space<vmem>>
        %dma_start3A_492 = arith.constant 0 : i32
        %dma_start3A_493 = tpu.memref_slice %arg5[%add3A_486, %dma_start3A_492] : memref<104x128xi32, #tpu.memory_space<vmem>> -> memref<1x128xi32, #tpu.memory_space<vmem>>
        %dma_start3A_494 = tpu.memref_squeeze %dma_start3A_493 : memref<1x128xi32, #tpu.memory_space<vmem>> -> memref<128xi32, #tpu.memory_space<vmem>>
        %dma_start3A_495 = arith.constant 0 : i32
        %dma_start3A_496 = arith.constant 0 : i32
        %dma_start3A_497 = tpu.memref_slice %arg3[%dma_start3A_495, %dma_start3A_496] : memref<100000x64xf32, #tpu.memory_space<hbm>> -> memref<100000x64xf32, #tpu.memory_space<hbm>>
        tpu.enqueue_indirect_dma source(%dma_start3A_497 : memref<100000x64xf32, #tpu.memory_space<hbm>>) target(%dma_start3A_491 : memref<128x64xf32, #tpu.memory_space<vmem>>) offsets(%dma_start3A_494 : memref<128xi32, #tpu.memory_space<vmem>>) semaphore(%arg8 : memref<!tpu.dma_semaphore, #tpu.memory_space<semaphore_mem>>)
        %add3A_498 = arith.constant 8 : i32
        %add3A_499 = arith.addi %mul3A_59, %add3A_498 : i32
        %add3A_500 = arith.constant 3 : i32
        %add3A_501 = arith.addi %add3A_499, %add3A_500 : i32
        %dma_start3A_502 = arith.constant 3 : i32
        %dma_start3A_503 = arith.constant 0 : i32
        %dma_start3A_504 = arith.constant 0 : i32
        %dma_start3A_505 = tpu.memref_slice %arg6[%dma_start3A_502, %dma_start3A_503, %dma_start3A_504] : memref<4x128x64xf32, #tpu.memory_space<vmem>> -> memref<1x128x64xf32, #tpu.memory_space<vmem>>
        %dma_start3A_506 = tpu.memref_squeeze %dma_start3A_505 : memref<1x128x64xf32, #tpu.memory_space<vmem>> -> memref<128x64xf32, #tpu.memory_space<vmem>>
        %dma_start3A_507 = arith.constant 0 : i32
        %dma_start3A_508 = tpu.memref_slice %arg5[%add3A_501, %dma_start3A_507] : memref<104x128xi32, #tpu.memory_space<vmem>> -> memref<1x128xi32, #tpu.memory_space<vmem>>
        %dma_start3A_509 = tpu.memref_squeeze %dma_start3A_508 : memref<1x128xi32, #tpu.memory_space<vmem>> -> memref<128xi32, #tpu.memory_space<vmem>>
        %dma_start3A_510 = arith.constant 0 : i32
        %dma_start3A_511 = arith.constant 0 : i32
        %dma_start3A_512 = tpu.memref_slice %arg3[%dma_start3A_510, %dma_start3A_511] : memref<100000x64xf32, #tpu.memory_space<hbm>> -> memref<100000x64xf32, #tpu.memory_space<hbm>>
        tpu.enqueue_indirect_dma source(%dma_start3A_512 : memref<100000x64xf32, #tpu.memory_space<hbm>>) target(%dma_start3A_506 : memref<128x64xf32, #tpu.memory_space<vmem>>) offsets(%dma_start3A_509 : memref<128xi32, #tpu.memory_space<vmem>>) semaphore(%arg8 : memref<!tpu.dma_semaphore, #tpu.memory_space<semaphore_mem>>)
      } else {
      }
      %dma_wait3A_285 = arith.constant 0 : i32
      %dma_wait3A_286 = arith.constant 0 : i32
      %dma_wait3A_287 = arith.constant 0 : i32
      %dma_wait3A_288 = arith.constant 0 : i32
      %dma_wait3A_289 = tpu.memref_slice %arg7[%dma_wait3A_286, %dma_wait3A_287, %dma_wait3A_288] : memref<4x128x64xf32, #tpu.memory_space<vmem>> -> memref<1x128x64xf32, #tpu.memory_space<vmem>>
      %dma_wait3A_290 = tpu.memref_squeeze %dma_wait3A_289 : memref<1x128x64xf32, #tpu.memory_space<vmem>> -> memref<128x64xf32, #tpu.memory_space<vmem>>
      %dma_wait3A_291 = arith.constant 0 : i32
      %dma_wait3A_292 = tpu.memref_slice %arg5[%dma_wait3A_285, %dma_wait3A_291] : memref<104x128xi32, #tpu.memory_space<vmem>> -> memref<1x128xi32, #tpu.memory_space<vmem>>
      %dma_wait3A_293 = tpu.memref_squeeze %dma_wait3A_292 : memref<1x128xi32, #tpu.memory_space<vmem>> -> memref<128xi32, #tpu.memory_space<vmem>>
      %dma_wait3A_294 = arith.constant 0 : i32
      %dma_wait3A_295 = arith.constant 0 : i32
      %dma_wait3A_296 = tpu.memref_slice %arg3[%dma_wait3A_294, %dma_wait3A_295] : memref<100000x64xf32, #tpu.memory_space<hbm>> -> memref<100000x64xf32, #tpu.memory_space<hbm>>
      tpu.wait_indirect_dma semaphore(%arg9 : memref<!tpu.dma_semaphore, #tpu.memory_space<semaphore_mem>>) src(%dma_wait3A_296 : memref<100000x64xf32, #tpu.memory_space<hbm>>) dst(%dma_wait3A_290 : memref<128x64xf32, #tpu.memory_space<vmem>>)
      %dma_wait3A_297 = arith.constant 0 : i32
      %dma_wait3A_298 = arith.constant 1 : i32
      %dma_wait3A_299 = arith.constant 0 : i32
      %dma_wait3A_300 = arith.constant 0 : i32
      %dma_wait3A_301 = tpu.memref_slice %arg7[%dma_wait3A_298, %dma_wait3A_299, %dma_wait3A_300] : memref<4x128x64xf32, #tpu.memory_space<vmem>> -> memref<1x128x64xf32, #tpu.memory_space<vmem>>
      %dma_wait3A_302 = tpu.memref_squeeze %dma_wait3A_301 : memref<1x128x64xf32, #tpu.memory_space<vmem>> -> memref<128x64xf32, #tpu.memory_space<vmem>>
      %dma_wait3A_303 = arith.constant 0 : i32
      %dma_wait3A_304 = tpu.memref_slice %arg5[%dma_wait3A_297, %dma_wait3A_303] : memref<104x128xi32, #tpu.memory_space<vmem>> -> memref<1x128xi32, #tpu.memory_space<vmem>>
      %dma_wait3A_305 = tpu.memref_squeeze %dma_wait3A_304 : memref<1x128xi32, #tpu.memory_space<vmem>> -> memref<128xi32, #tpu.memory_space<vmem>>
      %dma_wait3A_306 = arith.constant 0 : i32
      %dma_wait3A_307 = arith.constant 0 : i32
      %dma_wait3A_308 = tpu.memref_slice %arg3[%dma_wait3A_306, %dma_wait3A_307] : memref<100000x64xf32, #tpu.memory_space<hbm>> -> memref<100000x64xf32, #tpu.memory_space<hbm>>
      tpu.wait_indirect_dma semaphore(%arg9 : memref<!tpu.dma_semaphore, #tpu.memory_space<semaphore_mem>>) src(%dma_wait3A_308 : memref<100000x64xf32, #tpu.memory_space<hbm>>) dst(%dma_wait3A_302 : memref<128x64xf32, #tpu.memory_space<vmem>>)
      %dma_wait3A_309 = arith.constant 0 : i32
      %dma_wait3A_310 = arith.constant 2 : i32
      %dma_wait3A_311 = arith.constant 0 : i32
      %dma_wait3A_312 = arith.constant 0 : i32
      %dma_wait3A_313 = tpu.memref_slice %arg7[%dma_wait3A_310, %dma_wait3A_311, %dma_wait3A_312] : memref<4x128x64xf32, #tpu.memory_space<vmem>> -> memref<1x128x64xf32, #tpu.memory_space<vmem>>
      %dma_wait3A_314 = tpu.memref_squeeze %dma_wait3A_313 : memref<1x128x64xf32, #tpu.memory_space<vmem>> -> memref<128x64xf32, #tpu.memory_space<vmem>>
      %dma_wait3A_315 = arith.constant 0 : i32
      %dma_wait3A_316 = tpu.memref_slice %arg5[%dma_wait3A_309, %dma_wait3A_315] : memref<104x128xi32, #tpu.memory_space<vmem>> -> memref<1x128xi32, #tpu.memory_space<vmem>>
      %dma_wait3A_317 = tpu.memref_squeeze %dma_wait3A_316 : memref<1x128xi32, #tpu.memory_space<vmem>> -> memref<128xi32, #tpu.memory_space<vmem>>
      %dma_wait3A_318 = arith.constant 0 : i32
      %dma_wait3A_319 = arith.constant 0 : i32
      %dma_wait3A_320 = tpu.memref_slice %arg3[%dma_wait3A_318, %dma_wait3A_319] : memref<100000x64xf32, #tpu.memory_space<hbm>> -> memref<100000x64xf32, #tpu.memory_space<hbm>>
      tpu.wait_indirect_dma semaphore(%arg9 : memref<!tpu.dma_semaphore, #tpu.memory_space<semaphore_mem>>) src(%dma_wait3A_320 : memref<100000x64xf32, #tpu.memory_space<hbm>>) dst(%dma_wait3A_314 : memref<128x64xf32, #tpu.memory_space<vmem>>)
      %dma_wait3A_321 = arith.constant 0 : i32
      %dma_wait3A_322 = arith.constant 3 : i32
      %dma_wait3A_323 = arith.constant 0 : i32
      %dma_wait3A_324 = arith.constant 0 : i32
      %dma_wait3A_325 = tpu.memref_slice %arg7[%dma_wait3A_322, %dma_wait3A_323, %dma_wait3A_324] : memref<4x128x64xf32, #tpu.memory_space<vmem>> -> memref<1x128x64xf32, #tpu.memory_space<vmem>>
      %dma_wait3A_326 = tpu.memref_squeeze %dma_wait3A_325 : memref<1x128x64xf32, #tpu.memory_space<vmem>> -> memref<128x64xf32, #tpu.memory_space<vmem>>
      %dma_wait3A_327 = arith.constant 0 : i32
      %dma_wait3A_328 = tpu.memref_slice %arg5[%dma_wait3A_321, %dma_wait3A_327] : memref<104x128xi32, #tpu.memory_space<vmem>> -> memref<1x128xi32, #tpu.memory_space<vmem>>
      %dma_wait3A_329 = tpu.memref_squeeze %dma_wait3A_328 : memref<1x128xi32, #tpu.memory_space<vmem>> -> memref<128xi32, #tpu.memory_space<vmem>>
      %dma_wait3A_330 = arith.constant 0 : i32
      %dma_wait3A_331 = arith.constant 0 : i32
      %dma_wait3A_332 = tpu.memref_slice %arg3[%dma_wait3A_330, %dma_wait3A_331] : memref<100000x64xf32, #tpu.memory_space<hbm>> -> memref<100000x64xf32, #tpu.memory_space<hbm>>
      tpu.wait_indirect_dma semaphore(%arg9 : memref<!tpu.dma_semaphore, #tpu.memory_space<semaphore_mem>>) src(%dma_wait3A_332 : memref<100000x64xf32, #tpu.memory_space<hbm>>) dst(%dma_wait3A_326 : memref<128x64xf32, #tpu.memory_space<vmem>>)
      %add3A_333 = arith.constant 0 : i32
      %add3A_334 = arith.addi %add3A_61, %add3A_333 : i32
      %mul3A_335 = arith.constant 128 : i32
      %mul3A_336 = arith.muli %add3A_334, %mul3A_335 : i32
      %add3A_337 = arith.addi %mul3A_2, %mul3A_336 : i32
      %dma_start3A_338 = arith.constant 0 : i32
      %dma_start3A_339 = arith.constant 0 : i32
      %dma_start3A_340 = arith.constant 0 : i32
      %dma_start3A_341 = tpu.memref_slice %arg7[%dma_start3A_338, %dma_start3A_339, %dma_start3A_340] : memref<4x128x64xf32, #tpu.memory_space<vmem>> -> memref<1x128x64xf32, #tpu.memory_space<vmem>>
      %dma_start3A_342 = tpu.memref_squeeze %dma_start3A_341 : memref<1x128x64xf32, #tpu.memory_space<vmem>> -> memref<128x64xf32, #tpu.memory_space<vmem>>
      %dma_start3A_343 = arith.constant 0 : i32
      %dma_start3A_344 = tpu.memref_slice %arg4[%add3A_337, %dma_start3A_343] : memref<425984x128xf32, #tpu.memory_space<hbm>> -> memref<128x64xf32, #tpu.memory_space<hbm>>
      %dma_start3A_345 = arith.constant 0 : i32
      %dma_start3A_346 = tpu.memref_slice %arg4[%add3A_337, %dma_start3A_345] : memref<425984x128xf32, #tpu.memory_space<hbm>> -> memref<128x64xf32, #tpu.memory_space<hbm>>
      %dma_start3A_347 = arith.constant 0 : i32
      %dma_start3A_348 = arith.constant 0 : i32
      %dma_start3A_349 = tpu.memref_slice %arg7[%dma_start3A_338, %dma_start3A_347, %dma_start3A_348] : memref<4x128x64xf32, #tpu.memory_space<vmem>> -> memref<1x128x64xf32, #tpu.memory_space<vmem>>
      %dma_start3A_350 = tpu.memref_squeeze %dma_start3A_349 : memref<1x128x64xf32, #tpu.memory_space<vmem>> -> memref<128x64xf32, #tpu.memory_space<vmem>>
      tpu.enqueue_dma source(%dma_start3A_350 : memref<128x64xf32, #tpu.memory_space<vmem>>) target(%dma_start3A_346 : memref<128x64xf32, #tpu.memory_space<hbm>>) target_semaphore(%arg11 : memref<!tpu.dma_semaphore, #tpu.memory_space<semaphore_mem>>)
      %add3A_351 = arith.constant 1 : i32
      %add3A_352 = arith.addi %add3A_61, %add3A_351 : i32
      %mul3A_353 = arith.constant 128 : i32
      %mul3A_354 = arith.muli %add3A_352, %mul3A_353 : i32
      %add3A_355 = arith.addi %mul3A_2, %mul3A_354 : i32
      %dma_start3A_356 = arith.constant 1 : i32
      %dma_start3A_357 = arith.constant 0 : i32
      %dma_start3A_358 = arith.constant 0 : i32
      %dma_start3A_359 = tpu.memref_slice %arg7[%dma_start3A_356, %dma_start3A_357, %dma_start3A_358] : memref<4x128x64xf32, #tpu.memory_space<vmem>> -> memref<1x128x64xf32, #tpu.memory_space<vmem>>
      %dma_start3A_360 = tpu.memref_squeeze %dma_start3A_359 : memref<1x128x64xf32, #tpu.memory_space<vmem>> -> memref<128x64xf32, #tpu.memory_space<vmem>>
      %dma_start3A_361 = arith.constant 0 : i32
      %dma_start3A_362 = tpu.memref_slice %arg4[%add3A_355, %dma_start3A_361] : memref<425984x128xf32, #tpu.memory_space<hbm>> -> memref<128x64xf32, #tpu.memory_space<hbm>>
      %dma_start3A_363 = arith.constant 0 : i32
      %dma_start3A_364 = tpu.memref_slice %arg4[%add3A_355, %dma_start3A_363] : memref<425984x128xf32, #tpu.memory_space<hbm>> -> memref<128x64xf32, #tpu.memory_space<hbm>>
      %dma_start3A_365 = arith.constant 0 : i32
      %dma_start3A_366 = arith.constant 0 : i32
      %dma_start3A_367 = tpu.memref_slice %arg7[%dma_start3A_356, %dma_start3A_365, %dma_start3A_366] : memref<4x128x64xf32, #tpu.memory_space<vmem>> -> memref<1x128x64xf32, #tpu.memory_space<vmem>>
      %dma_start3A_368 = tpu.memref_squeeze %dma_start3A_367 : memref<1x128x64xf32, #tpu.memory_space<vmem>> -> memref<128x64xf32, #tpu.memory_space<vmem>>
      tpu.enqueue_dma source(%dma_start3A_368 : memref<128x64xf32, #tpu.memory_space<vmem>>) target(%dma_start3A_364 : memref<128x64xf32, #tpu.memory_space<hbm>>) target_semaphore(%arg11 : memref<!tpu.dma_semaphore, #tpu.memory_space<semaphore_mem>>)
      %add3A_369 = arith.constant 2 : i32
      %add3A_370 = arith.addi %add3A_61, %add3A_369 : i32
      %mul3A_371 = arith.constant 128 : i32
      %mul3A_372 = arith.muli %add3A_370, %mul3A_371 : i32
      %add3A_373 = arith.addi %mul3A_2, %mul3A_372 : i32
      %dma_start3A_374 = arith.constant 2 : i32
      %dma_start3A_375 = arith.constant 0 : i32
      %dma_start3A_376 = arith.constant 0 : i32
      %dma_start3A_377 = tpu.memref_slice %arg7[%dma_start3A_374, %dma_start3A_375, %dma_start3A_376] : memref<4x128x64xf32, #tpu.memory_space<vmem>> -> memref<1x128x64xf32, #tpu.memory_space<vmem>>
      %dma_start3A_378 = tpu.memref_squeeze %dma_start3A_377 : memref<1x128x64xf32, #tpu.memory_space<vmem>> -> memref<128x64xf32, #tpu.memory_space<vmem>>
      %dma_start3A_379 = arith.constant 0 : i32
      %dma_start3A_380 = tpu.memref_slice %arg4[%add3A_373, %dma_start3A_379] : memref<425984x128xf32, #tpu.memory_space<hbm>> -> memref<128x64xf32, #tpu.memory_space<hbm>>
      %dma_start3A_381 = arith.constant 0 : i32
      %dma_start3A_382 = tpu.memref_slice %arg4[%add3A_373, %dma_start3A_381] : memref<425984x128xf32, #tpu.memory_space<hbm>> -> memref<128x64xf32, #tpu.memory_space<hbm>>
      %dma_start3A_383 = arith.constant 0 : i32
      %dma_start3A_384 = arith.constant 0 : i32
      %dma_start3A_385 = tpu.memref_slice %arg7[%dma_start3A_374, %dma_start3A_383, %dma_start3A_384] : memref<4x128x64xf32, #tpu.memory_space<vmem>> -> memref<1x128x64xf32, #tpu.memory_space<vmem>>
      %dma_start3A_386 = tpu.memref_squeeze %dma_start3A_385 : memref<1x128x64xf32, #tpu.memory_space<vmem>> -> memref<128x64xf32, #tpu.memory_space<vmem>>
      tpu.enqueue_dma source(%dma_start3A_386 : memref<128x64xf32, #tpu.memory_space<vmem>>) target(%dma_start3A_382 : memref<128x64xf32, #tpu.memory_space<hbm>>) target_semaphore(%arg11 : memref<!tpu.dma_semaphore, #tpu.memory_space<semaphore_mem>>)
      %add3A_387 = arith.constant 3 : i32
      %add3A_388 = arith.addi %add3A_61, %add3A_387 : i32
      %mul3A_389 = arith.constant 128 : i32
      %mul3A_390 = arith.muli %add3A_388, %mul3A_389 : i32
      %add3A_391 = arith.addi %mul3A_2, %mul3A_390 : i32
      %dma_start3A_392 = arith.constant 3 : i32
      %dma_start3A_393 = arith.constant 0 : i32
      %dma_start3A_394 = arith.constant 0 : i32
      %dma_start3A_395 = tpu.memref_slice %arg7[%dma_start3A_392, %dma_start3A_393, %dma_start3A_394] : memref<4x128x64xf32, #tpu.memory_space<vmem>> -> memref<1x128x64xf32, #tpu.memory_space<vmem>>
      %dma_start3A_396 = tpu.memref_squeeze %dma_start3A_395 : memref<1x128x64xf32, #tpu.memory_space<vmem>> -> memref<128x64xf32, #tpu.memory_space<vmem>>
      %dma_start3A_397 = arith.constant 0 : i32
      %dma_start3A_398 = tpu.memref_slice %arg4[%add3A_391, %dma_start3A_397] : memref<425984x128xf32, #tpu.memory_space<hbm>> -> memref<128x64xf32, #tpu.memory_space<hbm>>
      %dma_start3A_399 = arith.constant 0 : i32
      %dma_start3A_400 = tpu.memref_slice %arg4[%add3A_391, %dma_start3A_399] : memref<425984x128xf32, #tpu.memory_space<hbm>> -> memref<128x64xf32, #tpu.memory_space<hbm>>
      %dma_start3A_401 = arith.constant 0 : i32
      %dma_start3A_402 = arith.constant 0 : i32
      %dma_start3A_403 = tpu.memref_slice %arg7[%dma_start3A_392, %dma_start3A_401, %dma_start3A_402] : memref<4x128x64xf32, #tpu.memory_space<vmem>> -> memref<1x128x64xf32, #tpu.memory_space<vmem>>
      %dma_start3A_404 = tpu.memref_squeeze %dma_start3A_403 : memref<1x128x64xf32, #tpu.memory_space<vmem>> -> memref<128x64xf32, #tpu.memory_space<vmem>>
      tpu.enqueue_dma source(%dma_start3A_404 : memref<128x64xf32, #tpu.memory_space<vmem>>) target(%dma_start3A_400 : memref<128x64xf32, #tpu.memory_space<hbm>>) target_semaphore(%arg11 : memref<!tpu.dma_semaphore, #tpu.memory_space<semaphore_mem>>)
      %dma_wait3A_405 = arith.constant 0 : i32
      %dma_wait3A_406 = arith.constant 0 : i32
      %dma_wait3A_407 = arith.constant 0 : i32
      %dma_wait3A_408 = arith.constant 0 : i32
      %dma_wait3A_409 = tpu.memref_slice %arg7[%dma_wait3A_406, %dma_wait3A_407, %dma_wait3A_408] : memref<4x128x64xf32, #tpu.memory_space<vmem>> -> memref<1x128x64xf32, #tpu.memory_space<vmem>>
      %dma_wait3A_410 = tpu.memref_squeeze %dma_wait3A_409 : memref<1x128x64xf32, #tpu.memory_space<vmem>> -> memref<128x64xf32, #tpu.memory_space<vmem>>
      %dma_wait3A_411 = arith.constant 0 : i32
      %dma_wait3A_412 = tpu.memref_slice %arg5[%dma_wait3A_405, %dma_wait3A_411] : memref<104x128xi32, #tpu.memory_space<vmem>> -> memref<1x128xi32, #tpu.memory_space<vmem>>
      %dma_wait3A_413 = tpu.memref_squeeze %dma_wait3A_412 : memref<1x128xi32, #tpu.memory_space<vmem>> -> memref<128xi32, #tpu.memory_space<vmem>>
      %dma_wait3A_414 = arith.constant 0 : i32
      %dma_wait3A_415 = arith.constant 0 : i32
      %dma_wait3A_416 = tpu.memref_slice %arg3[%dma_wait3A_414, %dma_wait3A_415] : memref<100000x64xf32, #tpu.memory_space<hbm>> -> memref<100000x64xf32, #tpu.memory_space<hbm>>
      tpu.wait_indirect_dma semaphore(%arg11 : memref<!tpu.dma_semaphore, #tpu.memory_space<semaphore_mem>>) src(%dma_wait3A_416 : memref<100000x64xf32, #tpu.memory_space<hbm>>) dst(%dma_wait3A_410 : memref<128x64xf32, #tpu.memory_space<vmem>>)
      %dma_wait3A_417 = arith.constant 0 : i32
      %dma_wait3A_418 = arith.constant 1 : i32
      %dma_wait3A_419 = arith.constant 0 : i32
      %dma_wait3A_420 = arith.constant 0 : i32
      %dma_wait3A_421 = tpu.memref_slice %arg7[%dma_wait3A_418, %dma_wait3A_419, %dma_wait3A_420] : memref<4x128x64xf32, #tpu.memory_space<vmem>> -> memref<1x128x64xf32, #tpu.memory_space<vmem>>
      %dma_wait3A_422 = tpu.memref_squeeze %dma_wait3A_421 : memref<1x128x64xf32, #tpu.memory_space<vmem>> -> memref<128x64xf32, #tpu.memory_space<vmem>>
      %dma_wait3A_423 = arith.constant 0 : i32
      %dma_wait3A_424 = tpu.memref_slice %arg5[%dma_wait3A_417, %dma_wait3A_423] : memref<104x128xi32, #tpu.memory_space<vmem>> -> memref<1x128xi32, #tpu.memory_space<vmem>>
      %dma_wait3A_425 = tpu.memref_squeeze %dma_wait3A_424 : memref<1x128xi32, #tpu.memory_space<vmem>> -> memref<128xi32, #tpu.memory_space<vmem>>
      %dma_wait3A_426 = arith.constant 0 : i32
      %dma_wait3A_427 = arith.constant 0 : i32
      %dma_wait3A_428 = tpu.memref_slice %arg3[%dma_wait3A_426, %dma_wait3A_427] : memref<100000x64xf32, #tpu.memory_space<hbm>> -> memref<100000x64xf32, #tpu.memory_space<hbm>>
      tpu.wait_indirect_dma semaphore(%arg11 : memref<!tpu.dma_semaphore, #tpu.memory_space<semaphore_mem>>) src(%dma_wait3A_428 : memref<100000x64xf32, #tpu.memory_space<hbm>>) dst(%dma_wait3A_422 : memref<128x64xf32, #tpu.memory_space<vmem>>)
      %dma_wait3A_429 = arith.constant 0 : i32
      %dma_wait3A_430 = arith.constant 2 : i32
      %dma_wait3A_431 = arith.constant 0 : i32
      %dma_wait3A_432 = arith.constant 0 : i32
      %dma_wait3A_433 = tpu.memref_slice %arg7[%dma_wait3A_430, %dma_wait3A_431, %dma_wait3A_432] : memref<4x128x64xf32, #tpu.memory_space<vmem>> -> memref<1x128x64xf32, #tpu.memory_space<vmem>>
      %dma_wait3A_434 = tpu.memref_squeeze %dma_wait3A_433 : memref<1x128x64xf32, #tpu.memory_space<vmem>> -> memref<128x64xf32, #tpu.memory_space<vmem>>
      %dma_wait3A_435 = arith.constant 0 : i32
      %dma_wait3A_436 = tpu.memref_slice %arg5[%dma_wait3A_429, %dma_wait3A_435] : memref<104x128xi32, #tpu.memory_space<vmem>> -> memref<1x128xi32, #tpu.memory_space<vmem>>
      %dma_wait3A_437 = tpu.memref_squeeze %dma_wait3A_436 : memref<1x128xi32, #tpu.memory_space<vmem>> -> memref<128xi32, #tpu.memory_space<vmem>>
      %dma_wait3A_438 = arith.constant 0 : i32
      %dma_wait3A_439 = arith.constant 0 : i32
      %dma_wait3A_440 = tpu.memref_slice %arg3[%dma_wait3A_438, %dma_wait3A_439] : memref<100000x64xf32, #tpu.memory_space<hbm>> -> memref<100000x64xf32, #tpu.memory_space<hbm>>
      tpu.wait_indirect_dma semaphore(%arg11 : memref<!tpu.dma_semaphore, #tpu.memory_space<semaphore_mem>>) src(%dma_wait3A_440 : memref<100000x64xf32, #tpu.memory_space<hbm>>) dst(%dma_wait3A_434 : memref<128x64xf32, #tpu.memory_space<vmem>>)
      %dma_wait3A_441 = arith.constant 0 : i32
      %dma_wait3A_442 = arith.constant 3 : i32
      %dma_wait3A_443 = arith.constant 0 : i32
      %dma_wait3A_444 = arith.constant 0 : i32
      %dma_wait3A_445 = tpu.memref_slice %arg7[%dma_wait3A_442, %dma_wait3A_443, %dma_wait3A_444] : memref<4x128x64xf32, #tpu.memory_space<vmem>> -> memref<1x128x64xf32, #tpu.memory_space<vmem>>
      %dma_wait3A_446 = tpu.memref_squeeze %dma_wait3A_445 : memref<1x128x64xf32, #tpu.memory_space<vmem>> -> memref<128x64xf32, #tpu.memory_space<vmem>>
      %dma_wait3A_447 = arith.constant 0 : i32
      %dma_wait3A_448 = tpu.memref_slice %arg5[%dma_wait3A_441, %dma_wait3A_447] : memref<104x128xi32, #tpu.memory_space<vmem>> -> memref<1x128xi32, #tpu.memory_space<vmem>>
      %dma_wait3A_449 = tpu.memref_squeeze %dma_wait3A_448 : memref<1x128xi32, #tpu.memory_space<vmem>> -> memref<128xi32, #tpu.memory_space<vmem>>
      %dma_wait3A_450 = arith.constant 0 : i32
      %dma_wait3A_451 = arith.constant 0 : i32
      %dma_wait3A_452 = tpu.memref_slice %arg3[%dma_wait3A_450, %dma_wait3A_451] : memref<100000x64xf32, #tpu.memory_space<hbm>> -> memref<100000x64xf32, #tpu.memory_space<hbm>>
      tpu.wait_indirect_dma semaphore(%arg11 : memref<!tpu.dma_semaphore, #tpu.memory_space<semaphore_mem>>) src(%dma_wait3A_452 : memref<100000x64xf32, #tpu.memory_space<hbm>>) dst(%dma_wait3A_446 : memref<128x64xf32, #tpu.memory_space<vmem>>)
    }
    %scan3A_54 = arith.constant 13 : i32
    return
  }
}

module attributes {stable_mosaic.version = 14 : i64} {
  func.func @_quant_block(%arg0: i32, %arg1: memref<64x2048xf32, #tpu.memory_space<vmem>>, %arg2: memref<2048x64xf32, #tpu.memory_space<vmem>>) attributes {dimension_semantics = [#tpu.dimension_semantics<arbitrary>], iteration_bounds = array<i64: 49>, scalar_prefetch = 0 : i64, scratch_operands = 0 : i64, tpu.core_type = #tpu.core_type<tc>, window_params = [{transform_indices = @transform_0, window_bounds = array<i64: 64, 2048>}, {transform_indices = @transform_1, window_bounds = array<i64: 2048, 64>}]} {
    %get3A = arith.constant 0 : index
    %get3A_0 = arith.constant 0 : index
    %get3A_1 = vector.load %arg1[%get3A, %get3A_0] : memref<64x2048xf32, #tpu.memory_space<vmem>>, vector<64x2048xf32>
    %abs3A = math.absf %get3A_1 : vector<64x2048xf32>
    %reduce_max3A = arith.constant dense<0xFF800000> : vector<2048xf32>
    %reduce_max3A_2 = vector.multi_reduction <maximumf>, %abs3A, %reduce_max3A [0] : vector<64x2048xf32> to vector<2048xf32>
    %broadcast_in_dim3A = vector.shape_cast %reduce_max3A_2 : vector<2048xf32> to vector<1x2048xf32>
    %div3A = arith.constant 1.270000e+02 : f32
    %div3A_3 = vector.broadcast %div3A : f32 to vector<1x2048xf32>
    %div3A_4 = arith.divf %broadcast_in_dim3A, %div3A_3 : vector<1x2048xf32>
    %max3A = arith.constant 9.99999993E-9 : f32
    %max3A_5 = vector.broadcast %max3A : f32 to vector<1x2048xf32>
    %max3A_6 = arith.maximumf %div3A_4, %max3A_5 : vector<1x2048xf32>
    %div3A_7 = vector.broadcast %max3A_6 : vector<1x2048xf32> to vector<64x2048xf32>
    %div3A_8 = arith.divf %get3A_1, %div3A_7 : vector<64x2048xf32>
    %round3A = math.roundeven %div3A_8 : vector<64x2048xf32>
    %jit3A = arith.constant -1.270000e+02 : f32
    %jit3A_9 = arith.constant 1.270000e+02 : f32
    %max3A_10 = vector.broadcast %jit3A : f32 to vector<64x2048xf32>
    %max3A_11 = arith.maximumf %max3A_10, %round3A : vector<64x2048xf32>
    %min3A = vector.broadcast %jit3A_9 : f32 to vector<64x2048xf32>
    %min3A_12 = arith.minimumf %min3A, %max3A_11 : vector<64x2048xf32>
    %mul3A = vector.broadcast %max3A_6 : vector<1x2048xf32> to vector<64x2048xf32>
    %mul3A_13 = arith.mulf %min3A_12, %mul3A : vector<64x2048xf32>
    %transpose3A = tpu.transpose %mul3A_13, [1, 0] : vector<64x2048xf32> -> vector<2048x64xf32>
    %swap3A = arith.constant 0 : index
    %swap3A_14 = arith.constant 0 : index
    %swap3A_15 = vector.load %arg2[%swap3A, %swap3A_14] : memref<2048x64xf32, #tpu.memory_space<vmem>>, vector<2048x64xf32>
    tpu.vector_store %arg2[%swap3A, %swap3A_14], %transpose3A {strides = array<i32>} : memref<2048x64xf32, #tpu.memory_space<vmem>>, vector<2048x64xf32>,
    return
  }
  func.func @transform_0(%arg0: i32) -> (i32, i32) {
    %c0_i32 = arith.constant 0 : i32
    %c0_i32_0 = arith.constant 0 : i32
    return %c0_i32, %arg0 : i32, i32
  }
  func.func @transform_1(%arg0: i32) -> (i32, i32) {
    %c0_i32 = arith.constant 0 : i32
    %c0_i32_0 = arith.constant 0 : i32
    return %arg0, %c0_i32 : i32, i32
  }
}

</mosaic_0001>

<sc_bundles>
// kernel: kernel.4.cloned.1.call-start
scs
__scs_entry_jumppad:
0x0: {  	(pc) =	sbr.rel $0x88, $3  }
0x1: {  	(tag) =	ssettag $0x0;
	lr =	simm.s32 $0x1  }
0x2: {  	[smem:$0x3F9F] =	sst lr;
	_ =	strace $0xD0000000  }
0x3: {  	_ = 	snop  }
0x4: {  	_ = 	snop  }
0x5: {  	_ = 	snop  }
0x6: {  	_ = 	snop  }
0x7: {  	_ = 	snop  }
__scs_overlays_trampoline_lowered:
0x8: {  	[smem:$0x3FAE] =	sst s0  }
0x9: {  	[smem:$0x3FAF] =	sst s1  }
0xa: {  	[smem:$0x3FB0] =	sst s2  }
0xb: {  	[smem:$0x3FB1] =	sst s3  }
0xc: {  	[smem:$0x3FB2] =	sst s4  }
0xd: {  	[smem:$0x3FB3] =	sst s5  }
0xe: {  	[smem:$0x3FB4] =	sst s6  }
0xf: {  	[smem:$0x3FB5] =	sst s7  }
0x10: {  	[smem:$0x3FB6] =	sst s8  }
0x11: {  	[smem:$0x3FB7] =	sst s9;
	s0 =	simm.s32 @!p0 $0x0  }
0x12: {  	s1 =	sld [smem:$0x3F9D];
	s0 =	simm.s32 @p0 $0x1  }
0x13: {  	[smem:$0x3FB8] =	sst s0;
	s0 =	simm.s32 @!p1 $0x0  }
0x14: {  	s2 =	sld [smem:$0x3F9C];
	s0 =	simm.s32 @p1 $0x1  }
0x15: {  	[smem:$0x3FB9] =	sst s0;
	s0 =	simm.s32 @!p2 $0x0  }
0x16: {  	s3 =	sld [smem:$0x3FDB];
	s0 =	simm.s32 @p2 $0x1  }
0x17: {  	s4 =	simm.s32 $0x1BF5;
	[smem:$0x3FBB] =	sst s0  }
0x18: {  	s0 =	sld [smem:$0x3F9E];
	_ =	swait.ge [sflag:s4], $0x0  }
0x19: {  	s7 =	sld [smem:$0x3F9F]  }
0x1a: {  	s8 =	sadd.s32 $0xFFFFE003, lr  }
0x1b: {  	s9 =	sadd.s32 $0xFFFFFEF7, lr;
	s5 =	simm.s32 $0xFFFFFFFF;
	p2 =	slt.u32 s8, $0xFFFFF086  }
0x1c: {  	p1 =	slt.u32 s9, $0xF7A;
	s5 =	simm.s32 @!p2 $0x0  }
0x1d: {  	s5 =	simm.s32 @p1 $0x1;
	p0 =	seq.s32 s7, s2  }
0x1e: {  	s7 =	smul.u32 @!p0 $0xF7A, s2;
	p2 =	seq.s32 @!p0 s5, $0x0  }
0x1f: {  	s9 =	smul.u32 $0xF7A, s1;
	s8 =	simm.s32 @!p0 $0x1BF5;
	p2 =	por !p2, p0  }
0x20: {  	[sflag:s8] =	ssyncset.s32 @!p0 $0xFFFFF086;
	s6 =	sadd.s32 @!p0 s3, s7;
	s7 =	simm.s32 @!p0 $0x108  }
0x21: {  	s3 =	sadd.s32 s3, s9;
	s6 =	sadd.s32 @!p0 $0x88, s6;
	s7 =	simm.s32 @p2 $0x1082  }
0x22: {  	[simem:s7], [sflag:s8] =	dma.local @!p0 [hbm:s6], $0xF7A  }
0x23: {  	s9 =	sor.u32 $0xD0000000, s2;
	s6 =	simm.s32 $0x108;
	_ =	swait.ge @!p0 [sflag:s8], $0x0  }
0x24: {  	s3 =	sadd.s32 $0x88, s3;
	s6 =	simm.s32 @!p1 $0x1082;
	[sflag:s4] =	ssyncset.s32 $0xFFFFF086  }
0x25: {  	[simem:s6], [sflag:s4] =	dma.local [hbm:s3], $0xF7A  }
0x26: {  	[smem:$0x3F9F] =	sst s1;
	(tag) =	ssettag s2;
	_ =	strace s9  }
0x27: {  	s1 =	sld [smem:$0x3FAF]  }
0x28: {  	s2 =	sld [smem:$0x3FB0]  }
0x29: {  	s4 =	sld [smem:$0x3FB2]  }
0x2a: {  	p0 =	seq.s32 s5, $0x0;
	s5 =	sld [smem:$0x3FB3]  }
0x2b: {  	s6 =	sld [smem:$0x3FB4]  }
0x2c: {  	s7 =	sld [smem:$0x3FB5]  }
0x2d: {  	s3 =	simm.s32 $0x108;
	s8 =	sld [smem:$0x3FB6]  }
0x2e: {  	s3 =	simm.s32 @!p0 $0x1082;
	s9 =	sld [smem:$0x3FB7]  }
0x2f: {  	lr =	sadd.s32 s0, s3;
	s0 =	sld [smem:$0x3FAE]  }
0x30: {  	s3 =	sld [smem:$0x3FB1]  }
0x31: {  	[smem:$0x3FBA] =	sst s10  }
0x32: {  	s10 =	sld [smem:$0x3FB8];
	_ =	sdelay $0x3  }
0x33: {  	p0 =	seq.s32 s10, $0x1;
	s10 =	sld [smem:$0x3FBA];
	_ =	sdelay $0x3  }
0x34: {  	[smem:$0x3FBA] =	sst s10  }
0x35: {  	s10 =	sld [smem:$0x3FB9];
	_ =	sdelay $0x3  }
0x36: {  	p1 =	seq.s32 s10, $0x1;
	s10 =	sld [smem:$0x3FBA];
	_ =	sdelay $0x3  }
0x37: {  	[smem:$0x3FBA] =	sst s10  }
0x38: {  	s10 =	sld [smem:$0x3FBB]  }
0x39: {  	_ = 	snop;
	(pc) =	sbr.ind lr, $3  }
0x3a: {  	_ = 	snop  }
0x3b: {  	_ = 	snop  }
0x3c: {  	p2 =	seq.s32 s10, $0x1;
	s10 =	sld [smem:$0x3FBA]  }
0x3d: {  	_ =	shalt  }
0x3e: {  	_ =	shalt  }
0x3f: {  	_ =	shalt  }
0x40: {  	_ =	shalt  }
0x41: {  	_ =	shalt  }
0x42: {  	_ =	shalt  }
0x43: {  	_ =	shalt  }
0x44: {  	_ =	shalt  }
0x45: {  	_ =	shalt  }
0x46: {  	_ =	shalt  }
0x47: {  	_ =	shalt  }
0x48: {  	_ =	shalt  }
0x49: {  	_ =	shalt  }
0x4a: {  	_ =	shalt  }
0x4b: {  	_ =	shalt  }
0x4c: {  	_ =	shalt  }
0x4d: {  	_ =	shalt  }
0x4e: {  	_ =	shalt  }
0x4f: {  	_ =	shalt  }
0x50: {  	_ =	shalt  }
0x51: {  	_ =	shalt  }
0x52: {  	_ =	shalt  }
0x53: {  	_ =	shalt  }
0x54: {  	_ =	shalt  }
0x55: {  	_ =	shalt  }
0x56: {  	_ =	shalt  }
0x57: {  	_ =	shalt  }
0x58: {  	_ =	shalt  }
0x59: {  	_ =	shalt  }
0x5a: {  	_ =	shalt  }
0x5b: {  	_ =	shalt  }
0x5c: {  	_ =	shalt  }
0x5d: {  	_ =	shalt  }
0x5e: {  	_ =	shalt  }
0x5f: {  	_ =	shalt  }
0x60: {  	_ =	shalt  }
0x61: {  	_ =	shalt  }
0x62: {  	_ =	shalt  }
0x63: {  	_ =	shalt  }
0x64: {  	_ =	shalt  }
0x65: {  	_ =	shalt  }
0x66: {  	_ =	shalt  }
0x67: {  	_ =	shalt  }
0x68: {  	_ =	shalt  }
0x69: {  	_ =	shalt  }
0x6a: {  	_ =	shalt  }
0x6b: {  	_ =	shalt  }
0x6c: {  	_ =	shalt  }
0x6d: {  	_ =	shalt  }
0x6e: {  	_ =	shalt  }
0x6f: {  	_ =	shalt  }
0x70: {  	_ =	shalt  }
0x71: {  	_ =	shalt  }
0x72: {  	_ =	shalt  }
0x73: {  	_ =	shalt  }
0x74: {  	_ =	shalt  }
0x75: {  	_ =	shalt  }
0x76: {  	_ =	shalt  }
0x77: {  	_ =	shalt  }
0x78: {  	_ =	shalt  }
0x79: {  	_ =	shalt  }
0x7a: {  	_ =	shalt  }
0x7b: {  	_ =	shalt  }
0x7c: {  	_ =	shalt  }
0x7d: {  	_ =	shalt  }
0x7e: {  	_ =	shalt  }
0x7f: {  	_ =	shalt  }
0x80: {  	_ =	shalt  }
0x81: {  	_ =	shalt  }
0x82: {  	_ =	shalt  }
0x83: {  	_ =	shalt  }
0x84: {  	_ =	shalt  }
0x85: {  	_ =	shalt  }
0x86: {  	_ =	shalt  }
0x87: {  	_ =	shalt  }
.Lfunc_end0:
.L_simem_size_0:
called_computation.1_lowered:
.L_overlay_start_0:
0x88: {  	s2 =	sld [smem:$0x3FD9]  }
0x89: {  	s3 =	sld [smem:$0x3FFE];
	_ =	sdelay $0x1  }
0x8a: {  	s1 =	srdreg.scid  }
0x8b: {  	s0 =	sand.u32 $0x1, s1  }
0x8c: {  	s16 =	sshll.u32 s0, $0xA;
	s2 =	sadd.s32 s3, s2  }
0x8d: {  	s2 =	sadd.s32 s2, s16  }
0x8e: {  	[smem:$0x3FC6] =	sst s2  }
0x8f: {  	_ = 	snop  }
0x90: {  	(tm) =	ssettm $0x1  }
0x91: {  	s17 =	sld [smem:$0x3FFB];
	_ =	sdelay $0x3  }
0x92: {  	_ =	strace s17  }
0x93: {  	s2 =	sld [smem:$0x3FFC];
	_ =	sdelay $0x3  }
0x94: {  	_ =	strace s2  }
0x95: {  	s2 =	sld [smem:$0x3FFD];
	_ =	sdelay $0x3  }
0x96: {  	_ =	strace s2  }
0x97: {  	_ =	strace $0x8FFFFFFF  }
0x98: {  	s18 =	sld [smem:$0x3FDB];
	_ =	sdelay $0x1  }
0x99: {  	s19 =	simm.s32 $_scs_section_size  }
0x9a: {  	s4 =	simm.s32 $_size__tile_overlayer_lowered;
	s5 =	simm.s32 $_tile_overlayer_lowered  }
0x9b: {  	s22 =	simm.s32 $0x1BFF;
	s21 =	sshll.u32 s5, $0x1;
	s2 =	sadd.s32 s19, s18  }
0x9c: {  	s6 =	simm.s32 $0x0;
	s20 =	sshll.u32 s4, $0x1;
	s4 =	sadd.s32 s21, s2  }
0x9d: {  	[timem:s6], [sflag:s22] =	dma.local [hbm:s4], s20  }
0x9e: {  	_ =	swait.ge [sflag:s22], s20  }
0x9f: {  	s3 =	ssub.s32 $0x0, s20;
	[sflag:s22] =	ssyncset.done $0x0  }
0xa0: {  	[sflag:s22] =	ssyncadd.s32 s3;
	_ =	sdelay $0x1  }
0xa1: {  	s23 =	simm.s32 $0x1B8B  }
0xa2: {  	_ =	swait.ge [sflag:s23], $0x1  }
0xa3: {  	[sflag:s23] =	ssyncset.done $0x0  }
0xa4: {  	s25 =	simm.s32 $0x1B8E;
	s24 =	sld [smem:$0x3FFE];
	[sflag:s23] =	ssyncadd.s32 $0xFFFFFFFF  }
0xa5: {  	s26 =	simm.s32 $execute0_lowered;
	[smem:$0x3FD2] =	sst s25  }
0xa6: {  	s4 =	sshll.u32 s26, $0x1;
	_ =	strace $0x80000046;
	[dreg:$0x1] =	wrdreg $0xFFFFFFFF  }
0xa7: {  	s28 =	simm.s32 $_size_execute0_lowered;
	s2 =	sadd.s32 s2, s4;
	[dreg:$0x0] =	wrdreg $0x0  }
0xa8: {  	s4 =	sshll.u32 s28, $0x1;
	[dreg:$0x2] =	wrdreg s2  }
0xa9: {  	[dreg:$0x3] =	wrdreg s4  }
0xaa: {  	[dreg:$0x4] =	wrdreg $0xC0  }
0xab: {  	_ =	task [dreg:s6], $0x5FFFF  }
0xac: {  	[dreg:$0x1] =	wrdreg $0xFFFFFFFF  }
0xad: {  	[dreg:$0x0] =	wrdreg $0x60  }
0xae: {  	[dreg:$0x2] =	wrdreg s24  }
0xaf: {  	[dreg:$0x3] =	wrdreg $0x9  }
0xb0: {  	_ =	task.clear_ibuf [dreg:s6], $0x4FFFF;
	_ =	strace $0x90000046  }
0xb1: {  	s29 =	simm.s32 $0x9;
	_ =	strace $0x80000048  }
0xb2: {  	_ =	swait.ge [sflag:s29], $0x1  }
0xb3: {  	[sflag:s29] =	ssyncadd.s32 $0xFFFFFFFF  }
0xb4: {  	_ =	strace $0x90000048  }
0xb5: {  	_ =	sfence  }
0xb6: {  	s30 =	sld [smem:$0x0];
	_ =	sdelay $0x2  }
0xb7: {  	s31 =	sshll.u32 s1, $0xD;
	s1 =	sshrl.u32 s1, $0x2  }
0xb8: {  	s3 =	sand.u32 $0x4000, s31;
	s1 =	sadd.s32 s1, s30  }
0xb9: {  	s0 =	sor.u32 s3, s0;
	s1 =	sshll.u32 s1, $0x11  }
0xba: {  	s0 =	sor.u32 s1, s0  }
0xbb: {  	s0 =	sadd.s32 $0x8F2B, s0  }
0xbc: {  	[sflag:s0] =	ssyncadd.remote.s32 $0x1  }
0xbd: {  	_ =	sfence.sel $0xFFFF  }
0xbe: {  	[dreg:$0x0] =	wrdreg $0xFFFFFFFF;
	(pc) =	sbr.abs _section_cstart, $3  }
0xbf: {  	[dreg:$0x1] =	wrdreg $0xFFFFFFFF  }
0xc0: {  	_ =	task.clear_ibuf [dreg:s6], $0x2FFFF;
	_ =	strace $0x9FFFFFFF  }
0xc1: {  	(tm) =	ssettm $0x7FFFFFFF  }
tec
execute0_lowered:
.L_overlay_start_1:
0x0: {  	(tag) =	ssettag $0x1  }
0x1: {  	s1 =	srdreg.scid  }
0x2: {  	s0 =	stileid.u32;
	s4 =	rddreg [dreg:$0x0]  }
0x3: {  	s2 =	simm.s32 $0x0;
	s10 =	simm.s32 $0x5400;
	s11 =	simm.s32 $0x100  }
0x4: {  	s12 =	simm.s32 $0x7400;
	s13 =	simm.s32 $0x180;
	s14 =	simm.s32 $0x9400  }
0x5: {  	s15 =	simm.s32 $0xB400;
	s16 =	simm.s32 $0xD400;
	s17 =	simm.s32 $0xF400  }
0x6: {  	s18 =	simm.s32 $0x11400;
	s19 =	simm.s32 $0x1;
	s3 =	smul.u32 $0x340000, s0  }
0x7: {  	s20 =	simm.s32 $0x40;
	s5 =	sand.u32 $0x1, s1;
	s7 =	smul.u32 $0x6800, s0  }
0x8: {  	s8 =	sshll.u32 s0, $0x1;
	[smem:$0x7FF] =	sst s2;
	s6 =	smul.u32 $0x1A0000, s5  }
0x9: {  	s9 =	smul.u32 $0x3400, s5;
	s8 =	sor.u32 s5, s8;
	s5 =	ssub.s32 $0x2, s5  }
0xa: {  	_ =	strace $0x80000047;
	s8 =	smul.u32 $0x3400, s8;
	s29 =	sshrl.u32 s5, $0x1  }
0xb: {  	s3 =	sadd.s32 s6, s3;
	s21 =	sadd.s32 s9, s7;
	s9 =	ssub.s32 s5, s29  }
0xc: {  	s3 =	sshrl.u32 s3, $0x3;
	s6 =	sshll.u32 s21, $0x4;
	s22 =	sshrl.u32 s8, $0x3  }
0xd: {  	s8 =	simm.s32 $0x80;
	[dreg:$0x2] =	wrdreg s3;
	s23 =	sor.u32 $0x1800, s6  }
0xe: {  	s21 =	simm.s32 $0x3;
	s24 =	sor.u32 $0x1000, s6;
	[dreg:$0x3] =	wrdreg s23  }
0xf: {  	s7 =	sadd.s32 s22, s4;
	s25 =	sor.u32 $0x800, s6;
	[dreg:$0x4] =	wrdreg s24  }
0x10: {  	s3 =	sadd.s32 $0xD800, s4;
	s26 =	sor.u32 $0x3800, s6;
	[dreg:$0x5] =	wrdreg s25  }
0x11: {  	s4 =	sadd.s32 $0xD0E00, s4;
	s28 =	sor.u32 $0x3000, s6;
	[dreg:$0x6] =	wrdreg s26  }
0x12: {  	s30 =	sor.u32 $0x2800, s6;
	s31 =	sor.u32 $0x2000, s6;
	[dreg:$0x7] =	wrdreg s28  }
0x13: {  	s6 =	smax.u32 s9, $0x1;
	s9 =	simm.s32 $0x3400;
	[dreg:$0x8] =	wrdreg s30  }
0x14: {  	s22 =	simm.s32 $0x2;
	s5 =	sadd.s32 $0x800, s7;
	[dreg:$0x9] =	wrdreg s31  }
0x15: {  	s7 =	simm.s32 $0x5;
	s23 =	simm.s32 $0x4;
	s24 =	simm.s32 $0x0  }
.LBB2_1:
0x16: {  	[tilespmem:s2], [sflag:$0x5] =	stream.linear.gather [hbm4b:s5+s2], $0x3400, $0x38;
	[tilespmem:$0x13400] =	vst v63  }
0x17: {  	_ =	swait.ge [sflag:s7], $0x3400  }
0x18: {  	[sflag:s7] =	ssyncset.done $0x0  }
0x19: {  	[sflag:s7] =	ssyncadd.s32 $0xFFFFCC00  }
0x1a: {  	[tilespmem:s9], [sflag:$0x1] =	stream.indirect.gather [hbm4b:s3+s8], $0x40, s2, s8, $0xb8;
	[tilespmem:$0x13400] =	vst v63  }
0x1b: {  	_ = 	snop  }
0x1c: {  	[tilespmem:s10], [sflag:$0x1] =	stream.indirect.gather [hbm4b:s3+s8], $0x40, s8, s8, $0xb8;
	[tilespmem:$0x13400] =	vst v63  }
0x1d: {  	_ = 	snop  }
0x1e: {  	[tilespmem:s12], [sflag:$0x1] =	stream.indirect.gather [hbm4b:s3+s8], $0x40, s11, s8, $0xb8;
	[tilespmem:$0x13400] =	vst v63  }
0x1f: {  	_ = 	snop  }
0x20: {  	[tilespmem:s14], [sflag:$0x1] =	stream.indirect.gather [hbm4b:s3+s8], $0x40, s13, s8, $0xb8;
	[tilespmem:$0x13400] =	vst v63  }
0x21: {  	s25 =	simm.s32 $0x200  }
0x22: {  	[tilespmem:s15], [sflag:$0x2] =	stream.indirect.gather [hbm4b:s3+s8], $0x40, s25, s8, $0xb8;
	[tilespmem:$0x13400] =	vst v63  }
0x23: {  	s0 =	simm.s32 $0x280  }
0x24: {  	[tilespmem:s16], [sflag:$0x2] =	stream.indirect.gather [hbm4b:s3+s8], $0x40, s0, s8, $0xb8;
	[tilespmem:$0x13400] =	vst v63  }
0x25: {  	s1 =	simm.s32 $0x300  }
0x26: {  	[tilespmem:s17], [sflag:$0x2] =	stream.indirect.gather [hbm4b:s3+s8], $0x40, s1, s8, $0xb8;
	[tilespmem:$0x13400] =	vst v63  }
0x27: {  	s26 =	simm.s32 $0x380  }
0x28: {  	[tilespmem:s18], [sflag:$0x2] =	stream.indirect.gather [hbm4b:s3+s8], $0x40, s26, s8, $0xb8;
	[tilespmem:$0x13400] =	vst v63  }
0x29: {  	_ =	swait.ge [sflag:s19], $0x2000  }
0x2a: {  	[sflag:s19] =	ssyncset.done $0x0  }
0x2b: {  	[sflag:s19] =	ssyncadd.s32 $0xFFFFE000  }
0x2c: {  	_ =	swait.ge [sflag:s19], $0x2000  }
0x2d: {  	[sflag:s19] =	ssyncset.done $0x0  }
0x2e: {  	[sflag:s19] =	ssyncadd.s32 $0xFFFFE000  }
0x2f: {  	_ =	swait.ge [sflag:s19], $0x2000  }
0x30: {  	[sflag:s19] =	ssyncset.done $0x0  }
0x31: {  	[sflag:s19] =	ssyncadd.s32 $0xFFFFE000  }
0x32: {  	_ =	swait.ge [sflag:s19], $0x2000  }
0x33: {  	s29 =	rddreg [dreg:$0x2];
	[sflag:s19] =	ssyncset.done $0x0  }
0x34: {  	s26 =	rddreg [dreg:$0x5];
	[sflag:s19] =	ssyncadd.s32 $0xFFFFE000;
	s25 =	sadd.s32 s4, s29  }
0x35: {  	[hbm4b:s25+s20] =	stream.strided.scatter [tilespmem:s9], [sflag:$0x3], $0x2000, s8, s20, $0x38;
	[tilespmem:$0x13400] =	vst v63  }
0x36: {  	s28 =	rddreg [dreg:$0x4];
	s31 =	sadd.s32 s4, s26  }
0x37: {  	[hbm4b:s31+s20] =	stream.strided.scatter [tilespmem:s10], [sflag:$0x3], $0x2000, s8, s20, $0x38;
	[tilespmem:$0x13400] =	vst v63  }
0x38: {  	s0 =	rddreg [dreg:$0x3];
	s1 =	sadd.s32 s4, s28  }
0x39: {  	[hbm4b:s1+s20] =	stream.strided.scatter [tilespmem:s12], [sflag:$0x3], $0x2000, s8, s20, $0x38;
	[tilespmem:$0x13400] =	vst v63  }
0x3a: {  	s26 =	sadd.s32 s4, s0  }
0x3b: {  	[hbm4b:s26+s20] =	stream.strided.scatter [tilespmem:s14], [sflag:$0x3], $0x2000, s8, s20, $0x38;
	[tilespmem:$0x13400] =	vst v63  }
0x3c: {  	_ =	swait.ge [sflag:s21], $0x2000  }
0x3d: {  	[sflag:s21] =	ssyncset.done $0x0  }
0x3e: {  	[sflag:s21] =	ssyncadd.s32 $0xFFFFE000  }
0x3f: {  	_ =	swait.ge [sflag:s21], $0x2000  }
0x40: {  	[sflag:s21] =	ssyncset.done $0x0  }
0x41: {  	[sflag:s21] =	ssyncadd.s32 $0xFFFFE000  }
0x42: {  	_ =	swait.ge [sflag:s21], $0x2000  }
0x43: {  	[sflag:s21] =	ssyncset.done $0x0  }
0x44: {  	[sflag:s21] =	ssyncadd.s32 $0xFFFFE000  }
0x45: {  	p0 =	por $0x0, $0x0;
	_ =	swait.ge [sflag:s21], $0x2000  }
0x46: {  	s28 =	simm.s32 @!p0 $0x80;
	[sflag:s21] =	ssyncset.done $0x0  }
0x47: {  	s25 =	simm.s32 @!p0 $0x3400;
	s26 =	simm.s32 @!p0 $0x400;
	[sflag:s21] =	ssyncadd.s32 $0xFFFFE000  }
0x48: {  	[tilespmem:s25], [sflag:$0x1] =	stream.indirect.gather @!p0 [hbm4b:s3+s28], $0x40, s26, s28, $0xb8;
	[tilespmem:$0x13400] =	vst v63  }
0x49: {  	s25 =	simm.s32 @!p0 $0x480;
	s26 =	simm.s32 @!p0 $0x5400  }
0x4a: {  	[tilespmem:s26], [sflag:$0x1] =	stream.indirect.gather @!p0 [hbm4b:s3+s28], $0x40, s25, s28, $0xb8;
	[tilespmem:$0x13400] =	vst v63  }
0x4b: {  	s25 =	simm.s32 @!p0 $0x500;
	s26 =	simm.s32 @!p0 $0x7400  }
0x4c: {  	[tilespmem:s26], [sflag:$0x1] =	stream.indirect.gather @!p0 [hbm4b:s3+s28], $0x40, s25, s28, $0xb8;
	[tilespmem:$0x13400] =	vst v63  }
0x4d: {  	s25 =	simm.s32 @!p0 $0x580;
	s26 =	simm.s32 @!p0 $0x9400  }
0x4e: {  	[tilespmem:s26], [sflag:$0x1] =	stream.indirect.gather @!p0 [hbm4b:s3+s28], $0x40, s25, s28, $0xb8;
	[tilespmem:$0x13400] =	vst v63  }
0x4f: {  	_ =	swait.ge [sflag:s22], $0x2000  }
0x50: {  	[sflag:s22] =	ssyncset.done $0x0  }
0x51: {  	[sflag:s22] =	ssyncadd.s32 $0xFFFFE000  }
0x52: {  	_ =	swait.ge [sflag:s22], $0x2000  }
0x53: {  	[sflag:s22] =	ssyncset.done $0x0  }
0x54: {  	[sflag:s22] =	ssyncadd.s32 $0xFFFFE000  }
0x55: {  	_ =	swait.ge [sflag:s22], $0x2000  }
0x56: {  	[sflag:s22] =	ssyncset.done $0x0  }
0x57: {  	[sflag:s22] =	ssyncadd.s32 $0xFFFFE000  }
0x58: {  	_ =	swait.ge [sflag:s22], $0x2000  }
0x59: {  	s29 =	rddreg [dreg:$0x9];
	[sflag:s22] =	ssyncset.done $0x0  }
0x5a: {  	s31 =	rddreg [dreg:$0x8];
	[sflag:s22] =	ssyncadd.s32 $0xFFFFE000;
	s25 =	sadd.s32 s4, s29  }
0x5b: {  	[hbm4b:s25+s20] =	stream.strided.scatter [tilespmem:s15], [sflag:$0x4], $0x2000, s8, s20, $0x38;
	[tilespmem:$0x13400] =	vst v63  }
0x5c: {  	s28 =	rddreg [dreg:$0x7];
	s0 =	sadd.s32 s4, s31  }
0x5d: {  	[hbm4b:s0+s20] =	stream.strided.scatter [tilespmem:s16], [sflag:$0x4], $0x2000, s8, s20, $0x38;
	[tilespmem:$0x13400] =	vst v63  }
0x5e: {  	s1 =	rddreg [dreg:$0x6];
	s29 =	sadd.s32 s4, s28  }
0x5f: {  	[hbm4b:s29+s20] =	stream.strided.scatter [tilespmem:s17], [sflag:$0x4], $0x2000, s8, s20, $0x38;
	[tilespmem:$0x13400] =	vst v63  }
0x60: {  	s31 =	sadd.s32 s4, s1  }
0x61: {  	[hbm4b:s31+s20] =	stream.strided.scatter [tilespmem:s18], [sflag:$0x4], $0x2000, s8, s20, $0x38;
	[tilespmem:$0x13400] =	vst v63  }
0x62: {  	_ =	swait.ge [sflag:s23], $0x2000  }
0x63: {  	[sflag:s23] =	ssyncset.done $0x0  }
0x64: {  	[sflag:s23] =	ssyncadd.s32 $0xFFFFE000  }
0x65: {  	_ =	swait.ge [sflag:s23], $0x2000  }
0x66: {  	[sflag:s23] =	ssyncset.done $0x0  }
0x67: {  	[sflag:s23] =	ssyncadd.s32 $0xFFFFE000  }
0x68: {  	_ =	swait.ge [sflag:s23], $0x2000  }
0x69: {  	[sflag:s23] =	ssyncset.done $0x0  }
0x6a: {  	[sflag:s23] =	ssyncadd.s32 $0xFFFFE000  }
0x6b: {  	s30 =	simm.s32 $0x400;
	s26 =	simm.s32 $0x1000;
	_ =	swait.ge [sflag:s23], $0x2000  }
0x6c: {  	s28 =	simm.s32 $0x2000;
	s25 =	sadd.s32 $0x4000, s4;
	[sflag:s23] =	ssyncset.done $0x0  }
.LBB2_2:
0x6d: {  	s31 =	sadd.s32 $0x200, s30;
	[sflag:s23] =	ssyncadd.s32 $0xFFFFE000  }
0x6e: {  	[tilespmem:s15], [sflag:$0x2] =	stream.indirect.gather [hbm4b:s3+s8], $0x40, s31, s8, $0xb8;
	[tilespmem:$0x13400] =	vst v63  }
0x6f: {  	s0 =	sadd.s32 $0x280, s30  }
0x70: {  	[tilespmem:s16], [sflag:$0x2] =	stream.indirect.gather [hbm4b:s3+s8], $0x40, s0, s8, $0xb8;
	[tilespmem:$0x13400] =	vst v63  }
0x71: {  	s1 =	sadd.s32 $0x300, s30  }
0x72: {  	[tilespmem:s17], [sflag:$0x2] =	stream.indirect.gather [hbm4b:s3+s8], $0x40, s1, s8, $0xb8;
	[tilespmem:$0x13400] =	vst v63  }
0x73: {  	s30 =	sadd.s32 $0x380, s30  }
0x74: {  	[tilespmem:s18], [sflag:$0x2] =	stream.indirect.gather [hbm4b:s3+s8], $0x40, s30, s8, $0xb8;
	[tilespmem:$0x13400] =	vst v63  }
0x75: {  	_ =	swait.ge [sflag:s19], $0x2000  }
0x76: {  	[sflag:s19] =	ssyncset.done $0x0  }
0x77: {  	[sflag:s19] =	ssyncadd.s32 $0xFFFFE000  }
0x78: {  	_ =	swait.ge [sflag:s19], $0x2000  }
0x79: {  	[sflag:s19] =	ssyncset.done $0x0  }
0x7a: {  	[sflag:s19] =	ssyncadd.s32 $0xFFFFE000  }
0x7b: {  	_ =	swait.ge [sflag:s19], $0x2000  }
0x7c: {  	[sflag:s19] =	ssyncset.done $0x0  }
0x7d: {  	[sflag:s19] =	ssyncadd.s32 $0xFFFFE000  }
0x7e: {  	_ =	swait.ge [sflag:s19], $0x2000  }
0x7f: {  	s30 =	rddreg [dreg:$0x2];
	[sflag:s19] =	ssyncset.done $0x0  }
0x80: {  	s0 =	rddreg [dreg:$0x5];
	[sflag:s19] =	ssyncadd.s32 $0xFFFFE000;
	s30 =	sadd.s32 s25, s30  }
0x81: {  	[hbm4b:s30+s20] =	stream.strided.scatter [tilespmem:s9], [sflag:$0x3], $0x2000, s8, s20, $0x38;
	[tilespmem:$0x13400] =	vst v63  }
0x82: {  	s1 =	rddreg [dreg:$0x4];
	s30 =	sadd.s32 s25, s0  }
0x83: {  	[hbm4b:s30+s20] =	stream.strided.scatter [tilespmem:s10], [sflag:$0x3], $0x2000, s8, s20, $0x38;
	[tilespmem:$0x13400] =	vst v63  }
0x84: {  	s1 =	sadd.s32 s25, s1;
	s0 =	rddreg [dreg:$0x3]  }
0x85: {  	[hbm4b:s1+s20] =	stream.strided.scatter [tilespmem:s12], [sflag:$0x3], $0x2000, s8, s20, $0x38;
	[tilespmem:$0x13400] =	vst v63  }
0x86: {  	s0 =	sadd.s32 s25, s0  }
0x87: {  	[hbm4b:s0+s20] =	stream.strided.scatter [tilespmem:s14], [sflag:$0x3], $0x2000, s8, s20, $0x38;
	[tilespmem:$0x13400] =	vst v63  }
0x88: {  	_ =	swait.ge [sflag:s21], $0x2000  }
0x89: {  	[sflag:s21] =	ssyncset.done $0x0  }
0x8a: {  	[sflag:s21] =	ssyncadd.s32 $0xFFFFE000  }
0x8b: {  	_ =	swait.ge [sflag:s21], $0x2000  }
0x8c: {  	[sflag:s21] =	ssyncset.done $0x0  }
0x8d: {  	[sflag:s21] =	ssyncadd.s32 $0xFFFFE000  }
0x8e: {  	_ =	swait.ge [sflag:s21], $0x2000  }
0x8f: {  	[sflag:s21] =	ssyncset.done $0x0  }
0x90: {  	[sflag:s21] =	ssyncadd.s32 $0xFFFFE000  }
0x91: {  	p1 =	seq.s32 s26, $0xC000;
	_ =	swait.ge [sflag:s21], $0x2000  }
0x92: {  	s31 =	simm.s32 @!p1 $0x80;
	s1 =	sshra.s32 @!p1 s26, $0x2;
	[sflag:s21] =	ssyncset.done $0x0  }
0x93: {  	s26 =	simm.s32 @!p1 $0x3400;
	s30 =	sadd.s32 @!p1 $0x400, s1;
	[sflag:s21] =	ssyncadd.s32 $0xFFFFE000  }
0x94: {  	[tilespmem:s26], [sflag:$0x1] =	stream.indirect.gather @!p1 [hbm4b:s3+s31], $0x40, s30, s31, $0xb8;
	[tilespmem:$0x13400] =	vst v63  }
0x95: {  	s26 =	sadd.s32 @!p1 $0x480, s1;
	s30 =	simm.s32 @!p1 $0x5400  }
0x96: {  	[tilespmem:s30], [sflag:$0x1] =	stream.indirect.gather @!p1 [hbm4b:s3+s31], $0x40, s26, s31, $0xb8;
	[tilespmem:$0x13400] =	vst v63  }
0x97: {  	s0 =	sadd.s32 @!p1 $0x500, s1;
	s30 =	simm.s32 @!p1 $0x7400  }
0x98: {  	[tilespmem:s30], [sflag:$0x1] =	stream.indirect.gather @!p1 [hbm4b:s3+s31], $0x40, s0, s31, $0xb8;
	[tilespmem:$0x13400] =	vst v63  }
0x99: {  	s1 =	sadd.s32 @!p1 $0x580, s1;
	s0 =	simm.s32 @!p1 $0x9400  }
0x9a: {  	[tilespmem:s0], [sflag:$0x1] =	stream.indirect.gather @!p1 [hbm4b:s3+s31], $0x40, s1, s31, $0xb8;
	[tilespmem:$0x13400] =	vst v63  }
0x9b: {  	_ =	swait.ge [sflag:s22], $0x2000  }
0x9c: {  	[sflag:s22] =	ssyncset.done $0x0  }
0x9d: {  	[sflag:s22] =	ssyncadd.s32 $0xFFFFE000  }
0x9e: {  	_ =	swait.ge [sflag:s22], $0x2000  }
0x9f: {  	[sflag:s22] =	ssyncset.done $0x0  }
0xa0: {  	[sflag:s22] =	ssyncadd.s32 $0xFFFFE000  }
0xa1: {  	_ =	swait.ge [sflag:s22], $0x2000  }
0xa2: {  	[sflag:s22] =	ssyncset.done $0x0  }
0xa3: {  	[sflag:s22] =	ssyncadd.s32 $0xFFFFE000  }
0xa4: {  	s29 =	smov.u32 s28;
	_ =	swait.ge [sflag:s22], $0x2000  }
0xa5: {  	s26 =	smov.u32 s29;
	s29 =	rddreg [dreg:$0x9];
	[sflag:s22] =	ssyncset.done $0x0  }
0xa6: {  	s31 =	rddreg [dreg:$0x8];
	[sflag:s22] =	ssyncadd.s32 $0xFFFFE000;
	s0 =	sadd.s32 s25, s29  }
0xa7: {  	[hbm4b:s0+s20] =	stream.strided.scatter [tilespmem:s15], [sflag:$0x4], $0x2000, s8, s20, $0x38;
	[tilespmem:$0x13400] =	vst v63  }
0xa8: {  	s29 =	rddreg [dreg:$0x7];
	s1 =	sadd.s32 s25, s31  }
0xa9: {  	[hbm4b:s1+s20] =	stream.strided.scatter [tilespmem:s16], [sflag:$0x4], $0x2000, s8, s20, $0x38;
	[tilespmem:$0x13400] =	vst v63  }
0xaa: {  	s31 =	rddreg [dreg:$0x6];
	s29 =	sadd.s32 s25, s29  }
0xab: {  	[hbm4b:s29+s20] =	stream.strided.scatter [tilespmem:s17], [sflag:$0x4], $0x2000, s8, s20, $0x38;
	[tilespmem:$0x13400] =	vst v63  }
0xac: {  	s31 =	sadd.s32 s25, s31  }
0xad: {  	[hbm4b:s31+s20] =	stream.strided.scatter [tilespmem:s18], [sflag:$0x4], $0x2000, s8, s20, $0x38;
	[tilespmem:$0x13400] =	vst v63  }
0xae: {  	_ =	swait.ge [sflag:s23], $0x2000  }
0xaf: {  	[sflag:s23] =	ssyncset.done $0x0  }
0xb0: {  	[sflag:s23] =	ssyncadd.s32 $0xFFFFE000  }
0xb1: {  	_ =	swait.ge [sflag:s23], $0x2000  }
0xb2: {  	s28 =	sadd.s32 $0x1000, s28;
	[sflag:s23] =	ssyncset.done $0x0  }
0xb3: {  	p0 =	sne.s32 s28, $0xD000;
	[sflag:s23] =	ssyncadd.s32 $0xFFFFE000  }
.Ltmp0:
0xb4: {  	_ =	swait.ge [sflag:s23], $0x2000;
	(pc) =	sbr.rel @p0 .LBB2_2-.Ltmp0, $4  }
0xb5: {  	[sflag:s23] =	ssyncset.done $0x0  }
0xb6: {  	[sflag:s23] =	ssyncadd.s32 $0xFFFFE000  }
0xb7: {  	_ =	swait.ge [sflag:s23], $0x2000  }
0xb8: {  	s30 =	sshra.s32 s26, $0x2;
	s25 =	sadd.s32 $0x4000, s25;
	[sflag:s23] =	ssyncset.done $0x0  }
0xb9: {  	s0 =	sadd.s32 $0x200, s30;
	[sflag:s23] =	ssyncadd.s32 $0xFFFFE000  }
0xba: {  	[tilespmem:s15], [sflag:$0x2] =	stream.indirect.gather [hbm4b:s3+s8], $0x40, s0, s8, $0xb8;
	[tilespmem:$0x13400] =	vst v63  }
0xbb: {  	s29 =	sadd.s32 $0x280, s30  }
0xbc: {  	[tilespmem:s16], [sflag:$0x2] =	stream.indirect.gather [hbm4b:s3+s8], $0x40, s29, s8, $0xb8;
	[tilespmem:$0x13400] =	vst v63  }
0xbd: {  	s31 =	sadd.s32 $0x300, s30  }
0xbe: {  	[tilespmem:s17], [sflag:$0x2] =	stream.indirect.gather [hbm4b:s3+s8], $0x40, s31, s8, $0xb8;
	[tilespmem:$0x13400] =	vst v63  }
0xbf: {  	s1 =	sadd.s32 $0x380, s30  }
0xc0: {  	[tilespmem:s18], [sflag:$0x2] =	stream.indirect.gather [hbm4b:s3+s8], $0x40, s1, s8, $0xb8;
	[tilespmem:$0x13400] =	vst v63  }
0xc1: {  	_ =	swait.ge [sflag:s19], $0x2000  }
0xc2: {  	[sflag:s19] =	ssyncset.done $0x0  }
0xc3: {  	[sflag:s19] =	ssyncadd.s32 $0xFFFFE000  }
0xc4: {  	_ =	swait.ge [sflag:s19], $0x2000  }
0xc5: {  	[sflag:s19] =	ssyncset.done $0x0  }
0xc6: {  	[sflag:s19] =	ssyncadd.s32 $0xFFFFE000  }
0xc7: {  	_ =	swait.ge [sflag:s19], $0x2000  }
0xc8: {  	[sflag:s19] =	ssyncset.done $0x0  }
0xc9: {  	[sflag:s19] =	ssyncadd.s32 $0xFFFFE000  }
0xca: {  	_ =	swait.ge [sflag:s19], $0x2000  }
0xcb: {  	s28 =	rddreg [dreg:$0x2];
	[sflag:s19] =	ssyncset.done $0x0  }
0xcc: {  	s1 =	rddreg [dreg:$0x5];
	[sflag:s19] =	ssyncadd.s32 $0xFFFFE000;
	s0 =	sadd.s32 s25, s28  }
0xcd: {  	[hbm4b:s0+s20] =	stream.strided.scatter [tilespmem:s9], [sflag:$0x3], $0x2000, s8, s20, $0x38;
	[tilespmem:$0x13400] =	vst v63  }
0xce: {  	s28 =	rddreg [dreg:$0x4];
	s29 =	sadd.s32 s25, s1  }
0xcf: {  	[hbm4b:s29+s20] =	stream.strided.scatter [tilespmem:s10], [sflag:$0x3], $0x2000, s8, s20, $0x38;
	[tilespmem:$0x13400] =	vst v63  }
0xd0: {  	s30 =	rddreg [dreg:$0x3];
	s31 =	sadd.s32 s25, s28  }
0xd1: {  	[hbm4b:s31+s20] =	stream.strided.scatter [tilespmem:s12], [sflag:$0x3], $0x2000, s8, s20, $0x38;
	[tilespmem:$0x13400] =	vst v63  }
0xd2: {  	s28 =	sadd.s32 s25, s30  }
0xd3: {  	[hbm4b:s28+s20] =	stream.strided.scatter [tilespmem:s14], [sflag:$0x3], $0x2000, s8, s20, $0x38;
	[tilespmem:$0x13400] =	vst v63  }
0xd4: {  	_ =	swait.ge [sflag:s21], $0x2000  }
0xd5: {  	[sflag:s21] =	ssyncset.done $0x0  }
0xd6: {  	[sflag:s21] =	ssyncadd.s32 $0xFFFFE000  }
0xd7: {  	_ =	swait.ge [sflag:s21], $0x2000  }
0xd8: {  	[sflag:s21] =	ssyncset.done $0x0  }
0xd9: {  	[sflag:s21] =	ssyncadd.s32 $0xFFFFE000  }
0xda: {  	_ =	swait.ge [sflag:s21], $0x2000  }
0xdb: {  	[sflag:s21] =	ssyncset.done $0x0  }
0xdc: {  	[sflag:s21] =	ssyncadd.s32 $0xFFFFE000  }
0xdd: {  	p0 =	seq.s32 s26, $0xC000;
	_ =	swait.ge [sflag:s21], $0x2000  }
0xde: {  	s1 =	simm.s32 @!p0 $0x3400;
	s0 =	sshra.s32 @!p0 s26, $0x2;
	[sflag:s21] =	ssyncset.done $0x0  }
0xdf: {  	s26 =	sadd.s32 @!p0 $0x400, s0;
	s28 =	simm.s32 @!p0 $0x80;
	[sflag:s21] =	ssyncadd.s32 $0xFFFFE000  }
0xe0: {  	[tilespmem:s1], [sflag:$0x1] =	stream.indirect.gather @!p0 [hbm4b:s3+s28], $0x40, s26, s28, $0xb8;
	[tilespmem:$0x13400] =	vst v63  }
0xe1: {  	s1 =	sadd.s32 @!p0 $0x480, s0;
	s26 =	simm.s32 @!p0 $0x5400  }
0xe2: {  	[tilespmem:s26], [sflag:$0x1] =	stream.indirect.gather @!p0 [hbm4b:s3+s28], $0x40, s1, s28, $0xb8;
	[tilespmem:$0x13400] =	vst v63  }
0xe3: {  	s1 =	sadd.s32 @!p0 $0x500, s0;
	s26 =	simm.s32 @!p0 $0x7400  }
0xe4: {  	[tilespmem:s26], [sflag:$0x1] =	stream.indirect.gather @!p0 [hbm4b:s3+s28], $0x40, s1, s28, $0xb8;
	[tilespmem:$0x13400] =	vst v63  }
0xe5: {  	s0 =	sadd.s32 @!p0 $0x580, s0;
	s1 =	simm.s32 @!p0 $0x9400  }
0xe6: {  	[tilespmem:s1], [sflag:$0x1] =	stream.indirect.gather @!p0 [hbm4b:s3+s28], $0x40, s0, s28, $0xb8;
	[tilespmem:$0x13400] =	vst v63  }
0xe7: {  	_ =	swait.ge [sflag:s22], $0x2000  }
0xe8: {  	[sflag:s22] =	ssyncset.done $0x0  }
0xe9: {  	[sflag:s22] =	ssyncadd.s32 $0xFFFFE000  }
0xea: {  	_ =	swait.ge [sflag:s22], $0x2000  }
0xeb: {  	[sflag:s22] =	ssyncset.done $0x0  }
0xec: {  	[sflag:s22] =	ssyncadd.s32 $0xFFFFE000  }
0xed: {  	_ =	swait.ge [sflag:s22], $0x2000  }
0xee: {  	[sflag:s22] =	ssyncset.done $0x0  }
0xef: {  	[sflag:s22] =	ssyncadd.s32 $0xFFFFE000  }
0xf0: {  	_ =	swait.ge [sflag:s22], $0x2000  }
0xf1: {  	s29 =	rddreg [dreg:$0x9];
	[sflag:s22] =	ssyncset.done $0x0  }
0xf2: {  	s30 =	rddreg [dreg:$0x8];
	[sflag:s22] =	ssyncadd.s32 $0xFFFFE000;
	s0 =	sadd.s32 s25, s29  }
0xf3: {  	[hbm4b:s0+s20] =	stream.strided.scatter [tilespmem:s15], [sflag:$0x4], $0x2000, s8, s20, $0x38;
	[tilespmem:$0x13400] =	vst v63  }
0xf4: {  	s31 =	rddreg [dreg:$0x7];
	s28 =	sadd.s32 s25, s30  }
0xf5: {  	[hbm4b:s28+s20] =	stream.strided.scatter [tilespmem:s16], [sflag:$0x4], $0x2000, s8, s20, $0x38;
	[tilespmem:$0x13400] =	vst v63  }
0xf6: {  	s29 =	rddreg [dreg:$0x6];
	s30 =	sadd.s32 s25, s31  }
0xf7: {  	[hbm4b:s30+s20] =	stream.strided.scatter [tilespmem:s17], [sflag:$0x4], $0x2000, s8, s20, $0x38;
	[tilespmem:$0x13400] =	vst v63  }
0xf8: {  	s31 =	sadd.s32 s25, s29  }
0xf9: {  	[hbm4b:s31+s20] =	stream.strided.scatter [tilespmem:s18], [sflag:$0x4], $0x2000, s8, s20, $0x38;
	[tilespmem:$0x13400] =	vst v63  }
0xfa: {  	_ =	swait.ge [sflag:s23], $0x2000  }
0xfb: {  	[sflag:s23] =	ssyncset.done $0x0  }
0xfc: {  	[sflag:s23] =	ssyncadd.s32 $0xFFFFE000  }
0xfd: {  	_ =	swait.ge [sflag:s23], $0x2000  }
0xfe: {  	[sflag:s23] =	ssyncset.done $0x0  }
0xff: {  	s24 =	sadd.s32 $0x1, s24;
	[sflag:s23] =	ssyncadd.s32 $0xFFFFE000  }
0x100: {  	p0 =	sne.s32 s24, s6;
	_ =	swait.ge [sflag:s23], $0x2000  }
.Ltmp1:
0x101: {  	[sflag:s23] =	ssyncset.done $0x0;
	(pc) =	sbr.rel @p0 .LBB2_1-.Ltmp1, $4  }
0x102: {  	[sflag:s23] =	ssyncadd.s32 $0xFFFFE000  }
0x103: {  	_ =	swait.ge [sflag:s23], $0x2000  }
0x104: {  	[sflag:s23] =	ssyncset.done $0x0  }
0x105: {  	[sflag:s23] =	ssyncadd.s32 $0xFFFFE000  }
0x106: {  	_ =	sfence.sel $0x180000  }
0x107: {  	[bflag:$0x0] =	sbarrier.arrive $0xFFFF  }
0x108: {  	_ =	strace $0x90000047  }
0x109: {  	s0 =	stileid.u32;
	[bflag:$0x2] =	sbarrier.arrive $0xFFFF  }
0x10a: {  	p0 =	sne.s32 s0, $0x0;
	s0 =	rddreg [dreg:$0x1]  }
0x10b: {  	s0 =	sadd.s32 @!p0 $0x100000, s0  }
0x10c: {  	[sflag:s0] =	ssyncadd.tile.s32 @!p0 $0x1;
	_ =	shalt  }
.Lfunc_end2:
_tile_overlayer_lowered:
.L_overlay_start_2:
0x10d: {  	(tag) =	ssettag $0x2  }
0x10e: {  	s0 =	rddreg [dreg:$0x0];
	s2 =	stileid.u32  }
0x10f: {  	s1 =	rddreg [dreg:$0x1];
	p0 =	sne.s32 s2, $0x0  }
0x110: {  	s3 =	rddreg [dreg:$0x2];
	[bflag:$0x3] =	sbarrier.arrive $0xFFFF;
	s2 =	simm.s32 @!p0 $0x1C05  }
0x111: {  	[timem:s3], [sflag:s2] =	dma.local @!p0 [hbm:s0], s1  }
0x112: {  	s0 =	simm.s32 @!p0 $0x5  }
0x113: {  	_ =	swait.ge @!p0 [sflag:s0], s1  }
0x114: {  	s1 =	ssub.s32 @!p0 $0x0, s1;
	[sflag:s0] =	ssyncset.done @!p0 $0x0  }
0x115: {  	[sflag:s0] =	ssyncadd.s32 @!p0 s1  }
0x116: {  	[bflag:$0x3] =	sbarrier.arrive $0xFFFF  }
0x117: {  	_ =	shalt  }

// kernel: sparse-core-data-format-call.cloned.1.call-start
scs
called_computation_lowered:
.L_overlay_start_0:
0x0: {  	s2 =	sld [smem:$0x3FD9]  }
0x1: {  	s3 =	sld [smem:$0x3FFE];
	_ =	sdelay $0x1  }
0x2: {  	s1 =	srdreg.scid  }
0x3: {  	s0 =	sand.u32 $0x1, s1  }
0x4: {  	s18 =	sshll.u32 s0, $0xA;
	s2 =	sadd.s32 s3, s2  }
0x5: {  	s2 =	sadd.s32 s2, s18  }
0x6: {  	[smem:$0x3FC6] =	sst s2  }
0x7: {  	_ = 	snop  }
0x8: {  	s2 =	sld [smem:$0x3FD0];
	(tm) =	ssettm $0x1  }
0x9: {  	s19 =	sld [smem:$0x3FFB];
	_ =	sdelay $0x3  }
0xa: {  	_ =	strace s19  }
0xb: {  	s3 =	sld [smem:$0x3FFC];
	_ =	sdelay $0x3  }
0xc: {  	_ =	strace s3  }
0xd: {  	s3 =	sld [smem:$0x3FFD];
	_ =	sdelay $0x3  }
0xe: {  	_ =	strace s3  }
0xf: {  	_ =	strace $0x8FFFFFFF  }
0x10: {  	s20 =	sld [smem:$0x3FDB];
	_ =	sdelay $0x1  }
0x11: {  	s4 =	simm.s32 $_scs_section_size  }
0x12: {  	s5 =	simm.s32 $_size__tile_overlayer_lowered;
	s6 =	simm.s32 $_tile_overlayer_lowered  }
0x13: {  	s23 =	simm.s32 $0x1BFF;
	s22 =	sshll.u32 s6, $0x1;
	s3 =	sadd.s32 s4, s20  }
0x14: {  	s7 =	simm.s32 $0x0;
	s21 =	sshll.u32 s5, $0x1;
	s5 =	sadd.s32 s22, s3  }
0x15: {  	[timem:s7], [sflag:s23] =	dma.local [hbm:s5], s21  }
0x16: {  	_ =	swait.ge [sflag:s23], s21  }
0x17: {  	s4 =	ssub.s32 $0x0, s21;
	[sflag:s23] =	ssyncset.done $0x0  }
0x18: {  	[sflag:s23] =	ssyncadd.s32 s4;
	_ =	sdelay $0x1  }
0x19: {  	s24 =	simm.s32 $0x1B8B  }
0x1a: {  	_ =	swait.ge [sflag:s24], $0x1  }
0x1b: {  	[sflag:s24] =	ssyncset.done $0x0  }
0x1c: {  	s26 =	simm.s32 $0x1B8E;
	s25 =	sld [smem:$0x3FFE];
	[sflag:s24] =	ssyncadd.s32 $0xFFFFFFFF  }
0x1d: {  	s27 =	simm.s32 $execute0_lowered;
	[smem:$0x3FD2] =	sst s26  }
0x1e: {  	s5 =	sshll.u32 s27, $0x1;
	_ =	strace $0x80000049;
	[dreg:$0x1] =	wrdreg $0xFFFFFFFF  }
0x1f: {  	s28 =	simm.s32 $_size_execute0_lowered;
	s3 =	sadd.s32 s3, s5;
	[dreg:$0x0] =	wrdreg $0x0  }
0x20: {  	s5 =	sshll.u32 s28, $0x1;
	[dreg:$0x2] =	wrdreg s3  }
0x21: {  	[dreg:$0x3] =	wrdreg s5  }
0x22: {  	[dreg:$0x4] =	wrdreg $0xC0  }
0x23: {  	_ =	task [dreg:s7], $0x5FFFF  }
0x24: {  	[dreg:$0x1] =	wrdreg $0xFFFFFFFF  }
0x25: {  	[dreg:$0x0] =	wrdreg $0x60  }
0x26: {  	[dreg:$0x2] =	wrdreg s25  }
0x27: {  	[dreg:$0x3] =	wrdreg s2  }
0x28: {  	[dreg:$0x4] =	wrdreg $0x9  }
0x29: {  	_ =	task.clear_ibuf [dreg:s7], $0x5FFFF;
	_ =	strace $0x90000049  }
0x2a: {  	s29 =	simm.s32 $0x9;
	_ =	strace $0x8000004B  }
0x2b: {  	_ =	swait.ge [sflag:s29], $0x1  }
0x2c: {  	[sflag:s29] =	ssyncadd.s32 $0xFFFFFFFF  }
0x2d: {  	_ =	strace $0x9000004B  }
0x2e: {  	_ =	sfence  }
0x2f: {  	s30 =	sld [smem:$0x0];
	_ =	sdelay $0x2  }
0x30: {  	s31 =	sshll.u32 s1, $0xD;
	s1 =	sshrl.u32 s1, $0x2  }
0x31: {  	s3 =	sand.u32 $0x4000, s31;
	s1 =	sadd.s32 s1, s30  }
0x32: {  	s0 =	sor.u32 s3, s0;
	s1 =	sshll.u32 s1, $0x11  }
0x33: {  	s0 =	sor.u32 s1, s0  }
0x34: {  	s0 =	sadd.s32 $0x8F2B, s0  }
0x35: {  	[sflag:s0] =	ssyncadd.remote.s32 $0x1  }
0x36: {  	_ =	sfence.sel $0xFFFF  }
0x37: {  	[dreg:$0x0] =	wrdreg $0xFFFFFFFF;
	(pc) =	sbr.abs _section_cstart, $3  }
0x38: {  	[dreg:$0x1] =	wrdreg $0xFFFFFFFF  }
0x39: {  	_ =	task.clear_ibuf [dreg:s7], $0x2FFFF;
	_ =	strace $0x9FFFFFFF  }
0x3a: {  	(tm) =	ssettm $0x7FFFFFFF  }
0x3b: {  	_ =	shalt  }
tec
execute0_lowered:
.L_overlay_start_1:
0x0: {  	(tag) =	ssettag $0x1  }
0x1: {  	s0 =	srdreg.scid  }
0x2: {  	s1 =	sshll.u32 s0, $0x4  }
0x3: {  	s0 =	stileid.u32;
	s1 =	sand.u32 $0x10, s1  }
0x4: {  	s7 =	rddreg [dreg:$0x0];
	s1 =	sor.u32 s0, s1  }
0x5: {  	s4 =	simm.s32 $0x1;
	s8 =	simm.s32 $0x2;
	s2 =	sshll.u32 s1, $0x7  }
0x6: {  	s13 =	simm.s32 $0x0;
	s9 =	simm.s32 $0x20000;
	s1 =	ssub.s32 $0x4000, s2  }
0x7: {  	s14 =	simm.s32 $0x0;
	s11 =	simm.s32 $0x0;
	s3 =	sand.u32 $0xF80, s1  }
0x8: {  	s12 =	simm.s32 $0x0;
	s5 =	sshrl.u32 s1, $0xC;
	p0 =	sne.s32 s3, $0x0  }
.Ltmp0:
0x9: {  	s1 =	rddreg [dreg:$0x2];
	s4 =	simm.s32 @!p0 $0x0;
	(pc) =	sbr.rel .LBB1_1-.Ltmp0, $4  }
0xa: {  	s6 =	sadd.s32 $0xD0E00, s7;
	s3 =	rddreg [dreg:$0x1];
	s5 =	sadd.s32 s4, s5  }
0xb: {  	_ =	strace $0x8000004A;
	s4 =	simm.s32 $0x1;
	s5 =	smul.u32 $0xD, s5  }
0xc: {  	s7 =	sadd.s32 $0x110E00, s7;
	s10 =	smov.u32 s2;
	[sflag:s4] =	ssyncpa.u1 $0x0  }
0xd: {  	p0 =	por $0x0, $0x0;
	[sflag:s8] =	ssyncpa.u1 $0x0;
	s8 =	sadd.s32 $0x1, s5  }
.LBB1_7:
0xe: {  	s15 =	sadd.s32 $0x1000, s10  }
0xf: {  	s13 =	sadd.s32 $0x2, s11;
	s17 =	smov.u32 s11;
	p2 =	sgt.s32 s15, $0x3FFF  }
0x10: {  	s17 =	smov.u32 @p2 s13  }
0x11: {  	s15 =	smov.u32 @p2 s2;
	p2 =	sgt.s32 s17, $0x19  }
0x12: {  	s17 =	simm.s32 @p2 $0x0;
	p2 =	sne.s32 s12, s8  }
.Ltmp1:
0x13: {  	p1 =	slt.u32 s12, $0x2;
	(pc) =	sbr.rel @!p2 .LBB1_8-.Ltmp1, $4  }
0x14: {  	s16 =	simm.s32 @!p1 $0x2  }
0x15: {  	s14 =	smov.u32 s11;
	p0 =	por !p0, !p0;
	_ =	swait.ge @!p1 [sflag:s16], $0x4000  }
0x16: {  	s13 =	smov.u32 s10;
	[sflag:s16] =	ssyncset.done @!p1 $0x0;
	s10 =	smov.u32 s15  }
0x17: {  	s12 =	sadd.s32 $0x1, s12;
	[sflag:s16] =	ssyncadd.s32 @!p1 $0xFFFFC000;
	s11 =	smov.u32 s17  }
.LBB1_1:
0x18: {  	p1 =	sge.u32 s12, s5  }
0x19: {  	s15 =	sxor.u32 @!p1 $0xFFFFFFFF, s12;
	s16 =	sshll.u32 @!p1 s11, $0x12  }
0x1a: {  	s17 =	sshll.u32 @!p1 s10, $0x4;
	s19 =	simm.s32 @!p1 $0x40;
	s20 =	simm.s32 @!p1 $0x80  }
0x1b: {  	s15 =	sshll.u32 @!p1 s15, $0xE;
	s17 =	sand.u32 @!p1 $0x3FFF0, s17;
	s18 =	sadd.s32 @!p1 s6, s16  }
0x1c: {  	s16 =	sadd.s32 @!p1 s16, s7;
	s15 =	sand.u32 @!p1 $0x4000, s15;
	s18 =	sadd.s32 @!p1 s17, s18  }
0x1d: {  	[tilespmem:s15], [sflag:$0x1] =	stream.strided.gather @!p1 [hbm4b:s18+s19], $0x2000, s20, s19, $0x38;
	[tilespmem:$0x10100] =	vst v63  }
0x1e: {  	s31 =	sadd.s32 $0xFFFFFFFF, s12;
	s16 =	sadd.s32 @!p1 s17, s16;
	s15 =	sor.u32 @!p1 $0x2000, s15  }
0x1f: {  	[tilespmem:s15], [sflag:$0x1] =	stream.strided.gather @!p1 [hbm4b:s16+s19], $0x2000, s20, s19, $0x38;
	[tilespmem:$0x10100] =	vst v63  }
0x20: {  	p1 =	sge.u32 s31, s5  }
.Ltmp2:
0x21: {  	_ = 	snop;
	(pc) =	sbr.rel @p1 .LBB1_7-.Ltmp2, $1  }
0x22: {  	_ =	sdelay $0x3  }
0x23: {  	s15 =	simm.s32 $0x1;
	s17 =	sand.u32 $0x1, s12  }
0x24: {  	_ =	swait.ge [sflag:s4], $0x4000;
	s15 =	simm.s32 @!p0 $0x0;
	s17 =	smul.u32 $0x10200, s17  }
0x25: {  	p2 =	por $0x1, $0x1;
	[sflag:s4] =	ssyncset.done $0x0;
	s16 =	smul.u32 $0x10200, s15  }
0x26: {  	s18 =	sshll.u32 s15, $0x10;
	[sflag:s4] =	ssyncadd.s32 $0xFFFFC000;
	s30 =	sshrl.u32 s17, $0x2  }
0x27: {  	s31 =	sshrl.u32 s18, $0x2;
	s18 =	simm.s32 $0x0;
	s16 =	sshrl.u32 s16, $0x2  }
0x28: {  	s15 =	sor.u32 $0x8000, s30;
	s17 =	sadd.s32 $0x20, s31;
	s16 =	sor.u32 $0x8000, s16  }
.LBB1_3:
0x29: {  	s19 =	sshll.u32 s18, $0xD  }
0x2a: {  	s19 =	sand.u32 $0x3FFFE000, s19  }
0x2b: {  	s21 =	sadd.s32 s19, s17  }
0x2c: {  	s31 =	smul.u32 $0x8100, s18;
	v3 =	vld [tilespmem:s21+$0x10]  }
0x2d: {  	v1 =	vld [tilespmem:s21+$0xFFFFFFF0]  }
0x2e: {  	s18 =	sshra.s32 s31, $0x2;
	v0 =	vld [tilespmem:s21+$0x0]  }
0x2f: {  	s18 =	sadd.s32 s18, s16;
	v2 =	vld [tilespmem:s21+$0xFFFFFFE0]  }
0x30: {  	s19 =	sadd.s32 $0x0, s18  }
0x31: {  	p1 =	por p2, p2;
	s20 =	simm.s32 $0x4;
	s21 =	sadd.s32 $0x40, s21;
	[tilespmem:s19+$0x1830 ss:$0x81] =	vst.msk $0xffff, v3  }
.LBB1_4:
0x32: {  	v3 =	vld [tilespmem:s21+$0x10];
	p2 =	sne.s32 s20, $0x1FC;
	[tilespmem:s19+$0x810 ss:$0x81] =	vst.msk $0xffff, v1;
	s22 =	smov.u32 s20;
	s20 =	sadd.s32 $0x4, s20  }
.Ltmp3:
0x33: {  	v1 =	vld [tilespmem:s21+$0xFFFFFFF0];
	[tilespmem:s19+$0x1020 ss:$0x81] =	vst.msk $0xffff, v0;
	(pc) =	sbr.rel @p2 .LBB1_4-.Ltmp3, $4  }
0x34: {  	v0 =	vld [tilespmem:s21+$0x0];
	[tilespmem:s19+$0x0 ss:$0x81] =	vst.msk $0xffff, v2  }
0x35: {  	s19 =	sshra.s32 s22, $0x2;
	v2 =	vld [tilespmem:s21+$0xFFFFFFE0]  }
0x36: {  	s19 =	sadd.s32 s19, s18  }
0x37: {  	s21 =	sadd.s32 $0x40, s21;
	[tilespmem:s19+$0x1830 ss:$0x81] =	vst.msk $0xffff, v3  }
.Ltmp4:
0x38: {  	(pc) =	sbr.rel @p1 .LBB1_3-.Ltmp4, $4  }
0x39: {  	_ = 	snop  }
0x3a: {  	[tilespmem:s19+$0x810 ss:$0x81] =	vst.msk $0xffff, v1  }
0x3b: {  	[tilespmem:s19+$0x1020 ss:$0x81] =	vst.msk $0xffff, v0  }
0x3c: {  	s18 =	simm.s32 $0x1;
	p2 =	por $0x0, $0x0;
	[tilespmem:s19+$0x0 ss:$0x81] =	vst.msk $0xffff, v2  }
0x3d: {  	s16 =	sshll.u32 s13, $0x3;
	s17 =	sand.u32 $0x78, s13;
	s14 =	sshll.u32 s14, $0x11  }
.Ltmp5:
0x3e: {  	s30 =	sand.u32 $0x1F800, s13;
	s16 =	sand.u32 $0x3C00, s16;
	(pc) =	sbr.rel .LBB1_7-.Ltmp5, $4  }
0x3f: {  	s31 =	sand.u32 $0x7, s13;
	s14 =	sadd.s32 s3, s14;
	s16 =	sor.u32 s17, s16  }
0x40: {  	s13 =	sshll.u32 s31, $0x12;
	s14 =	sadd.s32 s30, s14;
	s16 =	sshrl.u32 s16, $0x3  }
0x41: {  	s13 =	sor.u32 $0x400, s13;
	s14 =	sadd.s32 s16, s14  }
0x42: {  	[hbm4b:s14+s13] =	stream.strided.scatter [tilespmem:s15], [sflag:$0x2], $0x4000, s9, s13, $0x20;
	[tilespmem:$0x10100] =	vst v63  }
.LBB1_8:
0x43: {  	_ =	sfence.sel $0x180000  }
0x44: {  	s2 =	simm.s32 $0x1;
	[bflag:$0x0] =	sbarrier.arrive $0xFFFF  }
0x45: {  	s31 =	simm.s32 $0x2;
	[sflag:s2] =	ssyncpa.u1 $0x1  }
0x46: {  	[sflag:s31] =	ssyncpa.u1 $0x1  }
0x47: {  	p0 =	sne.s32 s0, $0x0;
	_ =	strace $0x9000004A  }
0x48: {  	s0 =	sadd.s32 @!p0 $0x100000, s1;
	[bflag:$0x2] =	sbarrier.arrive $0xFFFF  }
0x49: {  	[sflag:s0] =	ssyncadd.tile.s32 @!p0 $0x1;
	_ =	shalt  }
.Lfunc_end1:
_tile_overlayer_lowered:
.L_overlay_start_2:
0x4a: {  	(tag) =	ssettag $0x2  }
0x4b: {  	s0 =	rddreg [dreg:$0x0];
	s2 =	stileid.u32  }
0x4c: {  	s1 =	rddreg [dreg:$0x1];
	p0 =	sne.s32 s2, $0x0  }
0x4d: {  	s3 =	rddreg [dreg:$0x2];
	[bflag:$0x3] =	sbarrier.arrive $0xFFFF;
	s2 =	simm.s32 @!p0 $0x1C01  }
0x4e: {  	[timem:s3], [sflag:s2] =	dma.local @!p0 [hbm:s0], s1  }
0x4f: {  	s0 =	simm.s32 @!p0 $0x1  }
0x50: {  	_ =	swait.ge @!p0 [sflag:s0], s1  }
0x51: {  	s1 =	ssub.s32 @!p0 $0x0, s1;
	[sflag:s0] =	ssyncset.done @!p0 $0x0  }
0x52: {  	[sflag:s0] =	ssyncadd.s32 @!p0 s1  }
0x53: {  	[bflag:$0x3] =	sbarrier.arrive $0xFFFF  }
0x54: {  	_ =	shalt  }

</sc_bundles>
